<compile_context>
chip_gen: v7x
topology: tpu7x:2x2x1
jax: 0.10.2.dev20260603
libtpu: 0.0.44.dev20260713+nightly
codegen_flags: <defaults>
</compile_context>

<pallas_src>
import dataclasses
import functools

import jax
import jax.numpy as jnp
from jax import lax
from jax.experimental import pallas as pl
from jax.experimental.pallas import tpu as pltpu
from jax.experimental.pallas import tpu_sc as plsc

N = 10000
E = 320000
IN_F = 128
OUT_F = 32
HEADS = 8
ALPHA = 0.2

NP = 10240
DUMMY = N
C = 512
NSUB = 16
KPT = 40
NCHUNK = NSUB * KPT
E_PAD = NCHUNK * C
BR = 1280
NBR = NP // BR


def _tc_proj_kernel(h_ref, wc_ref, a1_ref, a2_ref, wh_ref, ti_ref, tj_ref):
    q = pl.program_id(1)
    whb = jnp.dot(h_ref[...], wc_ref[0],
                  preferred_element_type=jnp.float32,
                  precision=lax.Precision.HIGHEST)
    wh_ref[...] = whb
    tip = jnp.dot(whb, a1_ref[0],
                  preferred_element_type=jnp.float32,
                  precision=lax.Precision.HIGHEST)
    tjp = jnp.dot(whb, a2_ref[0],
                  preferred_element_type=jnp.float32,
                  precision=lax.Precision.HIGHEST)

    @pl.when(q % 2 == 0)
    def _():
        ti_ref[...] = tip
        tj_ref[...] = tjp

    @pl.when(q % 2 == 1)
    def _():
        ti_ref[...] += tip
        tj_ref[...] += tjp


def _tc_proj(h_pad, wc, a1q, a2q):
    return pl.pallas_call(
        _tc_proj_kernel,
        grid=(NBR, 4),
        in_specs=[
            pl.BlockSpec((BR, IN_F), lambda i, q: (i, 0)),
            pl.BlockSpec((1, IN_F, 64), lambda i, q: (q, 0, 0)),
            pl.BlockSpec((1, 64, 16), lambda i, q: (q, 0, 0)),
            pl.BlockSpec((1, 64, 16), lambda i, q: (q, 0, 0)),
        ],
        out_specs=[
            pl.BlockSpec((BR, 64), lambda i, q: (q * NBR + i, 0)),
            pl.BlockSpec((BR, 16), lambda i, q: ((q // 2) * NBR + i, 0)),
            pl.BlockSpec((BR, 16), lambda i, q: ((q // 2) * NBR + i, 0)),
        ],
        out_shape=[
            jax.ShapeDtypeStruct((4 * NP, 64), jnp.float32),
            jax.ShapeDtypeStruct((2 * NP, 16), jnp.float32),
            jax.ShapeDtypeStruct((2 * NP, 16), jnp.float32),
        ],
    )(h_pad, wc, a1q, a2q)


def _sc_gat(rc2, ti, tj, wh4):
    mesh = plsc.VectorSubcoreMesh(core_axis_name="c", subcore_axis_name="s")
    cp = pltpu.CompilerParams()
    if "needs_layout_passes" in pltpu.CompilerParams.__dataclass_fields__:
        cp = dataclasses.replace(cp, needs_layout_passes=False)
    if "use_tc_tiling_on_sc" in pltpu.CompilerParams.__dataclass_fields__:
        cp = dataclasses.replace(cp, use_tc_tiling_on_sc=False)

    @functools.partial(
        pl.kernel,
        compiler_params=cp,
        out_type=(
            jax.ShapeDtypeStruct((4 * NP, 64), jnp.float32),
            jax.ShapeDtypeStruct((2 * NCHUNK, C, 16), jnp.float32),
            jax.ShapeDtypeStruct((2 * NCHUNK, C, 16), jnp.float32),
        ),
        mesh=mesh,
        scratch_types=[
            pltpu.VMEM((2, C), jnp.int32),
            pltpu.VMEM((C,), jnp.int32),
            pltpu.VMEM((C, 16), jnp.float32),
            pltpu.VMEM((C, 16), jnp.float32),
            pltpu.VMEM((C, 16), jnp.float32),
            pltpu.VMEM((C, 16), jnp.float32),
            pltpu.VMEM((C, 64), jnp.float32),
            pltpu.VMEM((C,), jnp.int32),
            pltpu.VMEM_SHARED((NP, 16), jnp.float32),
            pltpu.VMEM_SHARED((NP, 64), jnp.float32),
        ],
    )
    def k(rc2_r, ti_r, tj_r, wh4_r, out_r, e_scr, ee_scr,
          rcv, adjv, buf_a, buf_b, buf_e, buf_s, rowsb, adjc,
          S12, OSP):
        c = lax.axis_index("c")
        s = lax.axis_index("s")

        zero16 = jnp.zeros((16,), jnp.float32)
        iota16 = lax.iota(jnp.int32, 16)
        mask48 = (iota16 >= 4) & (iota16 < 8)
        shidx = jnp.maximum(iota16 - 4, 0)
        nz = NP // NSUB

        def zero_rowsb():
            @plsc.parallel_loop(0, C, unroll=4)
            def _(r):
                for t in range(4):
                    rowsb[r, pl.ds(t * 16, 16)] = zero16

        def zero_osp():
            pltpu.sync_copy(rowsb, OSP.at[pl.ds(s * nz, C)])
            pltpu.sync_copy(rowsb.at[pl.ds(0, nz - C)],
                            OSP.at[pl.ds(s * nz + C, nz - C)])

        zero_rowsb()

        @plsc.parallel_loop(0, C, unroll=4)
        def _(r):
            buf_e[r, :] = zero16

        zero_osp()
        pltpu.sync_copy(buf_e, S12.at[pl.ds(s * nz, C)])
        pltpu.sync_copy(buf_e.at[pl.ds(0, nz - C)],
                        S12.at[pl.ds(s * nz + C, nz - C)])
        plsc.subcore_barrier()

        def adjust(plane, dst, base):
            @plsc.parallel_loop(0, C // 16, unroll=4)
            def _(qq):
                sl = pl.ds(qq * 16, 16)
                dst[sl] = rcv[plane, sl] + base

        @pl.loop(0, KPT)
        def _(kk):
            cid = s * KPT + kk
            gcid = c * NCHUNK + cid
            pltpu.sync_copy(rc2_r.at[cid], rcv)
            adjust(0, adjv, c * NP)
            adjust(1, adjc, c * NP)
            pltpu.sync_copy(ti_r.at[adjv], buf_a)
            pltpu.sync_copy(tj_r.at[adjc], buf_b)

            @plsc.parallel_loop(0, C, unroll=4)
            def _(r):
                v = buf_a[r, :] + buf_b[r, :]
                buf_e[r, :] = jnp.where(v > 0, v, v * ALPHA)

            pltpu.sync_copy(buf_e, e_scr.at[gcid])
            pltpu.sync_copy(buf_e, S12.at[rcv.at[0]], add=True)
        plsc.subcore_barrier()

        @pl.loop(0, KPT)
        def _(kk):
            cid = s * KPT + kk
            gcid = c * NCHUNK + cid
            pltpu.sync_copy(rc2_r.at[cid], rcv)
            pltpu.sync_copy(e_scr.at[gcid], buf_e)
            pltpu.sync_copy(S12.at[rcv.at[0]], buf_s)

            @plsc.parallel_loop(0, C, unroll=4)
            def _(r):
                ex = jnp.exp(buf_e[r, :] - buf_s[r, :])
                sh = ex.at[shidx].get(mode=lax.GatherScatterMode.PROMISE_IN_BOUNDS)
                buf_b[r, :] = jnp.where(mask48, sh, 0.0)

            pltpu.sync_copy(buf_b, ee_scr.at[gcid])
            pltpu.sync_copy(buf_b, S12.at[rcv.at[0]], add=True)
        plsc.subcore_barrier()

        for half in range(2):
            @pl.loop(0, KPT)
            def _(kk, half=half):
                cid = s * KPT + kk
                gcid = c * NCHUNK + cid
                pltpu.sync_copy(rc2_r.at[cid], rcv)
                pltpu.sync_copy(ee_scr.at[gcid], buf_b)
                if half == 0:
                    pltpu.sync_copy(S12.at[rcv.at[0]], buf_s)

                    @plsc.parallel_loop(0, C, unroll=4)
                    def _(r):
                        buf_b[r, :] = buf_b[r, :] / (buf_s[r, :] + 1e-16)

                    pltpu.sync_copy(buf_b, ee_scr.at[gcid])

                adjust(1, adjc, (c * 2 + half) * NP)
                pltpu.sync_copy(wh4_r.at[adjc], rowsb)

                @plsc.parallel_loop(0, C, unroll=2)
                def _(ce):
                    for hh in range(2):
                        av = plsc.load_gather(
                            buf_b,
                            [jnp.full((16,), ce, jnp.int32),
                             jnp.full((16,), 4 + half * 2 + hh, jnp.int32)])
                        for t in range(2):
                            sl = pl.ds(hh * 32 + t * 16, 16)
                            rowsb[ce, sl] = rowsb[ce, sl] * av
                pltpu.sync_copy(rowsb, OSP.at[rcv.at[0]], add=True)
            plsc.subcore_barrier()

            pltpu.sync_copy(
                OSP.at[pl.ds(s * nz, nz)],
                out_r.at[pl.ds((c * 2 + half) * NP + s * nz, nz)])
            if half == 0:
                plsc.subcore_barrier()
                zero_rowsb()
                zero_osp()
                plsc.subcore_barrier()

    return k(rc2, ti, tj, wh4)


def kernel(h, adj, W, a):
    h = h.astype(jnp.float32)
    W = W.astype(jnp.float32)
    a = a.astype(jnp.float32)

    h_pad = jnp.zeros((NP, IN_F), jnp.float32).at[:N].set(h)
    wc = (jnp.transpose(W, (1, 0, 2)).reshape(IN_F, 4, 64)
          .transpose(1, 0, 2))
    a1 = a[:, :OUT_F, 0].reshape(2, 4, OUT_F)
    a2 = a[:, OUT_F:, 0].reshape(2, 4, OUT_F)
    eye = jnp.eye(4, 16, dtype=jnp.float32)
    a1b = (a1[:, :, :, None] * eye[None, :, None, :]).reshape(2, 128, 16)
    a2b = (a2[:, :, :, None] * eye[None, :, None, :]).reshape(2, 128, 16)
    a1q = a1b.reshape(4, 64, 16)
    a2q = a2b.reshape(4, 64, 16)

    row = adj[0].astype(jnp.int32)
    col = adj[1].astype(jnp.int32)
    rowp = jnp.full((E_PAD,), DUMMY, jnp.int32).at[:E].set(row)
    colp = jnp.full((E_PAD,), DUMMY, jnp.int32).at[:E].set(col)
    rc2 = jnp.stack([rowp.reshape(NCHUNK, C),
                     colp.reshape(NCHUNK, C)], axis=1)

    wh4, ti, tj = _tc_proj(h_pad, wc, a1q, a2q)
    out4, _, _ = _sc_gat(rc2, ti, tj, wh4)
    return jnp.concatenate(
        [out4[q * NP:q * NP + N] for q in range(4)], axis=1)

# --- scband reference (transcript-rebuilt; emitter-appended) ---
"""Pipeline reference for scband-sparse-multi-head-gatlayer-53300544143791 (READ-ONLY COPY).

The authoritative reference and input builder live on the scoring server;
editing this copy changes nothing except your own understanding.
"""

import jax, jax.numpy as jnp
import numpy as np

N = 10000
E = 320000
IN_F = 128
OUT_F = 32
HEADS = 8
ALPHA = 0.2


def setup_inputs(seed: int = 0) -> dict:
    key = jax.random.key(seed)
    k1, k2, k3, k4 = jax.random.split(key, 4)
    h = jax.random.normal(k1, (N, IN_F), dtype=jnp.float32)
    adj = jax.random.randint(k2, (2, E), 0, N, dtype=jnp.int32)
    # learned parameters: per-head projection W and attention vector a (xavier-like scale)
    W = jax.random.normal(k3, (HEADS, IN_F, OUT_F), dtype=jnp.float32) * 0.1
    a = jax.random.normal(k4, (HEADS, 2 * OUT_F, 1), dtype=jnp.float32) * 0.1
    return {"h": h, "adj": adj, "W": W, "a": a}


def reference(h, adj, W, a):
    # adj carries the coalesced COO indices of the sparse adjacency: row, col = adj[0], adj[1]
    row = adj[0]
    col = adj[1]
    outputs = []
    for head in range(HEADS):
        Wh = h @ W[head]                      # [N, OUT_F]
        Wh_i = jnp.take(Wh, row, axis=0)      # gather dst features [E, OUT_F]
        Wh_j = jnp.take(Wh, col, axis=0)      # gather src features [E, OUT_F]
        a_input = jnp.concatenate([Wh_i, Wh_j], axis=1)   # [E, 2*OUT_F]
        e = jax.nn.leaky_relu((a_input @ a[head])[:, 0], negative_slope=ALPHA)  # [E]
        # NOTE: original torch code computes a per-row SUM (index_add_) and calls it rowmax;
        # we reproduce that exact (buggy-but-faithful) math.
        e_rowmax = jax.ops.segment_sum(e, row, num_segments=N)  # [N]
        e_exp = jnp.exp(e - jnp.take(e_rowmax, row, axis=0))    # [E]
        e_exp_sum = jax.ops.segment_sum(e_exp, row, num_segments=N)  # [N]
        attention = e_exp / (jnp.take(e_exp_sum, row, axis=0) + 1e-16)  # [E]
        # dropout p=0.0 -> identity (deterministic reference)
        h_prime = jax.ops.segment_sum(attention[:, None] * Wh_j, row, num_segments=N)  # [N, OUT_F]
        outputs.append(h_prime)
    # concat=True
    return jnp.concatenate(outputs, axis=1)  # [N, HEADS*OUT_F]

if __name__ == "__main__":
    import jax
    _d = setup_inputs()
    print(jax.jit(kernel)(*tuple(_d.values())))

</pallas_src>

<mosaic_0001>
#map = affine_map<(d0, d1) -> (0, 0, 0)>
#map1 = affine_map<(d0, d1) -> (0, 0)>
module attributes {stable_mosaic.version = 14 : i64} {
  func.func @k(%arg0: i32, %arg1: i32, %arg2: memref<640x2x512xi32, #tpu.memory_space<hbm>>, %arg3: memref<20480x16xf32, #tpu.memory_space<hbm>>, %arg4: memref<20480x16xf32, #tpu.memory_space<hbm>>, %arg5: memref<40960x64xf32, #tpu.memory_space<hbm>>, %arg6: memref<40960x64xf32, #tpu.memory_space<hbm>>, %arg7: memref<1280x512x16xf32, #tpu.memory_space<hbm>>, %arg8: memref<1280x512x16xf32, #tpu.memory_space<hbm>>, %arg9: memref<2x512xi32, #tpu.memory_space<vmem>>, %arg10: memref<512xi32, #tpu.memory_space<vmem>>, %arg11: memref<512x16xf32, #tpu.memory_space<vmem>>, %arg12: memref<512x16xf32, #tpu.memory_space<vmem>>, %arg13: memref<512x16xf32, #tpu.memory_space<vmem>>, %arg14: memref<512x16xf32, #tpu.memory_space<vmem>>, %arg15: memref<512x64xf32, #tpu.memory_space<vmem>>, %arg16: memref<512xi32, #tpu.memory_space<vmem>>, %arg17: memref<10240x16xf32, #tpu.memory_space<vmem_shared>>, %arg18: memref<10240x64xf32, #tpu.memory_space<vmem_shared>>) attributes {dimension_semantics = [#tpu.dimension_semantics<core_parallel>, #tpu.dimension_semantics<subcore_parallel>], iteration_bounds = array<i64: 2, 16>, scalar_prefetch = 0 : i64, scratch_operands = 10 : i64, tpu.core_type = #tpu.core_type<sc_vector_subcore>, window_params = [{transform_indices = #map}, {transform_indices = #map1}, {transform_indices = #map1}, {transform_indices = #map1}, {transform_indices = #map1}, {transform_indices = #map}, {transform_indices = #map}]} {
    %broadcast_in_dim3A = arith.constant 0.000000e+00 : f32
    %broadcast_in_dim3A_0 = vector.broadcast %broadcast_in_dim3A : f32 to vector<16xf32>
    %iota3A = tpu.iota {dimensions = array<i32: 0>} : vector<16xi32>
    %ge3A = arith.constant 4 : i32
    %ge3A_1 = vector.broadcast %ge3A : i32 to vector<16xi32>
    %ge3A_2 = arith.cmpi sge, %iota3A, %ge3A_1 : vector<16xi32>
    %lt3A = arith.constant 8 : i32
    %lt3A_3 = vector.broadcast %lt3A : i32 to vector<16xi32>
    %lt3A_4 = arith.cmpi slt, %iota3A, %lt3A_3 : vector<16xi32>
    %and3A = arith.andi %ge3A_2, %lt3A_4 : vector<16xi1>
    %sub3A = arith.constant 4 : i32
    %sub3A_5 = vector.broadcast %sub3A : i32 to vector<16xi32>
    %sub3A_6 = arith.subi %iota3A, %sub3A_5 : vector<16xi32>
    %max3A = arith.constant 0 : i32
    %max3A_7 = vector.broadcast %max3A : i32 to vector<16xi32>
    %max3A_8 = arith.maxsi %sub3A_6, %max3A_7 : vector<16xi32>
    %parallel_loop3A = arith.constant 0 : i32
    %parallel_loop3A_9 = arith.constant 512 : i32
    %parallel_loop3A_10 = arith.constant 1 : i32
    scf.for %parallel_loop3A_80 = %parallel_loop3A to %parallel_loop3A_9 step %parallel_loop3A_10  : i32 {
      %parallel_loop3A_81 = arith.index_cast %parallel_loop3A_80 : i32 to index
      %parallel_loop3A_82 = arith.constant 0 : index
      %parallel_loop3A_83 = tpu.vector_load %arg15[%parallel_loop3A_81, %parallel_loop3A_82] {strides = array<i32>} : memref<512x64xf32, #tpu.memory_space<vmem>>, vector<16xf32>,
      tpu.vector_store %arg15[%parallel_loop3A_81, %parallel_loop3A_82], %broadcast_in_dim3A_0 {strides = array<i32>} : memref<512x64xf32, #tpu.memory_space<vmem>>, vector<16xf32>,
      %parallel_loop3A_84 = arith.index_cast %parallel_loop3A_80 : i32 to index
      %parallel_loop3A_85 = arith.constant 16 : index
      %parallel_loop3A_86 = tpu.vector_load %arg15[%parallel_loop3A_84, %parallel_loop3A_85] {strides = array<i32>} : memref<512x64xf32, #tpu.memory_space<vmem>>, vector<16xf32>,
      tpu.vector_store %arg15[%parallel_loop3A_84, %parallel_loop3A_85], %broadcast_in_dim3A_0 {strides = array<i32>} : memref<512x64xf32, #tpu.memory_space<vmem>>, vector<16xf32>,
      %parallel_loop3A_87 = arith.index_cast %parallel_loop3A_80 : i32 to index
      %parallel_loop3A_88 = arith.constant 32 : index
      %parallel_loop3A_89 = tpu.vector_load %arg15[%parallel_loop3A_87, %parallel_loop3A_88] {strides = array<i32>} : memref<512x64xf32, #tpu.memory_space<vmem>>, vector<16xf32>,
      tpu.vector_store %arg15[%parallel_loop3A_87, %parallel_loop3A_88], %broadcast_in_dim3A_0 {strides = array<i32>} : memref<512x64xf32, #tpu.memory_space<vmem>>, vector<16xf32>,
      %parallel_loop3A_90 = arith.index_cast %parallel_loop3A_80 : i32 to index
      %parallel_loop3A_91 = arith.constant 48 : index
      %parallel_loop3A_92 = tpu.vector_load %arg15[%parallel_loop3A_90, %parallel_loop3A_91] {strides = array<i32>} : memref<512x64xf32, #tpu.memory_space<vmem>>, vector<16xf32>,
      tpu.vector_store %arg15[%parallel_loop3A_90, %parallel_loop3A_91], %broadcast_in_dim3A_0 {strides = array<i32>} : memref<512x64xf32, #tpu.memory_space<vmem>>, vector<16xf32>,
    } {sc.loop_unroll_factor = 4 : i64, sc.parallel_access}
    %parallel_loop3A_11 = arith.constant 0 : i32
    %parallel_loop3A_12 = arith.constant 512 : i32
    %parallel_loop3A_13 = arith.constant 1 : i32
    scf.for %parallel_loop3A_80 = %parallel_loop3A_11 to %parallel_loop3A_12 step %parallel_loop3A_13  : i32 {
      %parallel_loop3A_81 = arith.index_cast %parallel_loop3A_80 : i32 to index
      %parallel_loop3A_82 = arith.constant 0 : index
      %parallel_loop3A_83 = tpu.vector_load %arg13[%parallel_loop3A_81, %parallel_loop3A_82] {strides = array<i32>} : memref<512x16xf32, #tpu.memory_space<vmem>>, vector<16xf32>,
      tpu.vector_store %arg13[%parallel_loop3A_81, %parallel_loop3A_82], %broadcast_in_dim3A_0 {strides = array<i32>} : memref<512x16xf32, #tpu.memory_space<vmem>>, vector<16xf32>,
    } {sc.loop_unroll_factor = 4 : i64, sc.parallel_access}
    %mul3A = arith.constant 640 : i32
    %mul3A_14 = arith.muli %arg1, %mul3A : i32
    "tpu.region"() ({
      %run_scoped3A = tpu.sem_alloc : memref<!tpu.dma_semaphore, #tpu.memory_space<semaphore_mem>>
      %dma_start3A = arith.constant 0 : i32
      %dma_start3A_80 = tpu.memref_slice %arg18[%mul3A_14, %dma_start3A] : memref<10240x64xf32, #tpu.memory_space<vmem_shared>> -> memref<512x64xf32, #tpu.memory_space<vmem_shared>>
      %dma_start3A_81 = arith.constant 0 : i32
      %dma_start3A_82 = tpu.memref_slice %arg18[%mul3A_14, %dma_start3A_81] : memref<10240x64xf32, #tpu.memory_space<vmem_shared>> -> memref<512x64xf32, #tpu.memory_space<vmem_shared>>
      tpu.enqueue_dma source(%arg15 : memref<512x64xf32, #tpu.memory_space<vmem>>) target(%dma_start3A_82 : memref<512x64xf32, #tpu.memory_space<vmem_shared>>) target_semaphore(%run_scoped3A : memref<!tpu.dma_semaphore, #tpu.memory_space<semaphore_mem>>)
      %dma_wait3A = arith.constant 0 : i32
      %dma_wait3A_83 = tpu.memref_slice %arg18[%mul3A_14, %dma_wait3A] : memref<10240x64xf32, #tpu.memory_space<vmem_shared>> -> memref<512x64xf32, #tpu.memory_space<vmem_shared>>
      %dma_wait3A_84 = arith.constant 0 : i32
      %dma_wait3A_85 = tpu.memref_slice %arg18[%mul3A_14, %dma_wait3A_84] : memref<10240x64xf32, #tpu.memory_space<vmem_shared>> -> memref<512x64xf32, #tpu.memory_space<vmem_shared>>
      tpu.wait_dma2 semaphore(%run_scoped3A : memref<!tpu.dma_semaphore, #tpu.memory_space<semaphore_mem>>) src(%arg15 : memref<512x64xf32, #tpu.memory_space<vmem>>) dst(%dma_wait3A_85 : memref<512x64xf32, #tpu.memory_space<vmem_shared>>)
      tpu.yield
    }) : () -> ()
    %mul3A_15 = arith.constant 640 : i32
    %mul3A_16 = arith.muli %arg1, %mul3A_15 : i32
    %add3A = arith.constant 512 : i32
    %add3A_17 = arith.addi %mul3A_16, %add3A : i32
    "tpu.region"() ({
      %run_scoped3A = tpu.sem_alloc : memref<!tpu.dma_semaphore, #tpu.memory_space<semaphore_mem>>
      %dma_start3A = arith.constant 0 : i32
      %dma_start3A_80 = arith.constant 0 : i32
      %dma_start3A_81 = tpu.memref_slice %arg15[%dma_start3A, %dma_start3A_80] : memref<512x64xf32, #tpu.memory_space<vmem>> -> memref<128x64xf32, #tpu.memory_space<vmem>>
      %dma_start3A_82 = arith.constant 0 : i32
      %dma_start3A_83 = tpu.memref_slice %arg18[%add3A_17, %dma_start3A_82] : memref<10240x64xf32, #tpu.memory_space<vmem_shared>> -> memref<128x64xf32, #tpu.memory_space<vmem_shared>>
      %dma_start3A_84 = arith.constant 0 : i32
      %dma_start3A_85 = tpu.memref_slice %arg18[%add3A_17, %dma_start3A_84] : memref<10240x64xf32, #tpu.memory_space<vmem_shared>> -> memref<128x64xf32, #tpu.memory_space<vmem_shared>>
      %dma_start3A_86 = arith.constant 0 : i32
      %dma_start3A_87 = arith.constant 0 : i32
      %dma_start3A_88 = tpu.memref_slice %arg15[%dma_start3A_86, %dma_start3A_87] : memref<512x64xf32, #tpu.memory_space<vmem>> -> memref<128x64xf32, #tpu.memory_space<vmem>>
      tpu.enqueue_dma source(%dma_start3A_88 : memref<128x64xf32, #tpu.memory_space<vmem>>) target(%dma_start3A_85 : memref<128x64xf32, #tpu.memory_space<vmem_shared>>) target_semaphore(%run_scoped3A : memref<!tpu.dma_semaphore, #tpu.memory_space<semaphore_mem>>)
      %dma_wait3A = arith.constant 0 : i32
      %dma_wait3A_89 = arith.constant 0 : i32
      %dma_wait3A_90 = tpu.memref_slice %arg15[%dma_wait3A, %dma_wait3A_89] : memref<512x64xf32, #tpu.memory_space<vmem>> -> memref<128x64xf32, #tpu.memory_space<vmem>>
      %dma_wait3A_91 = arith.constant 0 : i32
      %dma_wait3A_92 = tpu.memref_slice %arg18[%add3A_17, %dma_wait3A_91] : memref<10240x64xf32, #tpu.memory_space<vmem_shared>> -> memref<128x64xf32, #tpu.memory_space<vmem_shared>>
      %dma_wait3A_93 = arith.constant 0 : i32
      %dma_wait3A_94 = tpu.memref_slice %arg18[%add3A_17, %dma_wait3A_93] : memref<10240x64xf32, #tpu.memory_space<vmem_shared>> -> memref<128x64xf32, #tpu.memory_space<vmem_shared>>
      %dma_wait3A_95 = arith.constant 0 : i32
      %dma_wait3A_96 = arith.constant 0 : i32
      %dma_wait3A_97 = tpu.memref_slice %arg15[%dma_wait3A_95, %dma_wait3A_96] : memref<512x64xf32, #tpu.memory_space<vmem>> -> memref<128x64xf32, #tpu.memory_space<vmem>>
      tpu.wait_dma2 semaphore(%run_scoped3A : memref<!tpu.dma_semaphore, #tpu.memory_space<semaphore_mem>>) src(%dma_wait3A_97 : memref<128x64xf32, #tpu.memory_space<vmem>>) dst(%dma_wait3A_94 : memref<128x64xf32, #tpu.memory_space<vmem_shared>>)
      tpu.yield
    }) : () -> ()
    %mul3A_18 = arith.constant 640 : i32
    %mul3A_19 = arith.muli %arg1, %mul3A_18 : i32
    "tpu.region"() ({
      %run_scoped3A = tpu.sem_alloc : memref<!tpu.dma_semaphore, #tpu.memory_space<semaphore_mem>>
      %dma_start3A = arith.constant 0 : i32
      %dma_start3A_80 = tpu.memref_slice %arg17[%mul3A_19, %dma_start3A] : memref<10240x16xf32, #tpu.memory_space<vmem_shared>> -> memref<512x16xf32, #tpu.memory_space<vmem_shared>>
      %dma_start3A_81 = arith.constant 0 : i32
      %dma_start3A_82 = tpu.memref_slice %arg17[%mul3A_19, %dma_start3A_81] : memref<10240x16xf32, #tpu.memory_space<vmem_shared>> -> memref<512x16xf32, #tpu.memory_space<vmem_shared>>
      tpu.enqueue_dma source(%arg13 : memref<512x16xf32, #tpu.memory_space<vmem>>) target(%dma_start3A_82 : memref<512x16xf32, #tpu.memory_space<vmem_shared>>) target_semaphore(%run_scoped3A : memref<!tpu.dma_semaphore, #tpu.memory_space<semaphore_mem>>)
      %dma_wait3A = arith.constant 0 : i32
      %dma_wait3A_83 = tpu.memref_slice %arg17[%mul3A_19, %dma_wait3A] : memref<10240x16xf32, #tpu.memory_space<vmem_shared>> -> memref<512x16xf32, #tpu.memory_space<vmem_shared>>
      %dma_wait3A_84 = arith.constant 0 : i32
      %dma_wait3A_85 = tpu.memref_slice %arg17[%mul3A_19, %dma_wait3A_84] : memref<10240x16xf32, #tpu.memory_space<vmem_shared>> -> memref<512x16xf32, #tpu.memory_space<vmem_shared>>
      tpu.wait_dma2 semaphore(%run_scoped3A : memref<!tpu.dma_semaphore, #tpu.memory_space<semaphore_mem>>) src(%arg13 : memref<512x16xf32, #tpu.memory_space<vmem>>) dst(%dma_wait3A_85 : memref<512x16xf32, #tpu.memory_space<vmem_shared>>)
      tpu.yield
    }) : () -> ()
    %mul3A_20 = arith.constant 640 : i32
    %mul3A_21 = arith.muli %arg1, %mul3A_20 : i32
    %add3A_22 = arith.constant 512 : i32
    %add3A_23 = arith.addi %mul3A_21, %add3A_22 : i32
    "tpu.region"() ({
      %run_scoped3A = tpu.sem_alloc : memref<!tpu.dma_semaphore, #tpu.memory_space<semaphore_mem>>
      %dma_start3A = arith.constant 0 : i32
      %dma_start3A_80 = arith.constant 0 : i32
      %dma_start3A_81 = tpu.memref_slice %arg13[%dma_start3A, %dma_start3A_80] : memref<512x16xf32, #tpu.memory_space<vmem>> -> memref<128x16xf32, #tpu.memory_space<vmem>>
      %dma_start3A_82 = arith.constant 0 : i32
      %dma_start3A_83 = tpu.memref_slice %arg17[%add3A_23, %dma_start3A_82] : memref<10240x16xf32, #tpu.memory_space<vmem_shared>> -> memref<128x16xf32, #tpu.memory_space<vmem_shared>>
      %dma_start3A_84 = arith.constant 0 : i32
      %dma_start3A_85 = tpu.memref_slice %arg17[%add3A_23, %dma_start3A_84] : memref<10240x16xf32, #tpu.memory_space<vmem_shared>> -> memref<128x16xf32, #tpu.memory_space<vmem_shared>>
      %dma_start3A_86 = arith.constant 0 : i32
      %dma_start3A_87 = arith.constant 0 : i32
      %dma_start3A_88 = tpu.memref_slice %arg13[%dma_start3A_86, %dma_start3A_87] : memref<512x16xf32, #tpu.memory_space<vmem>> -> memref<128x16xf32, #tpu.memory_space<vmem>>
      tpu.enqueue_dma source(%dma_start3A_88 : memref<128x16xf32, #tpu.memory_space<vmem>>) target(%dma_start3A_85 : memref<128x16xf32, #tpu.memory_space<vmem_shared>>) target_semaphore(%run_scoped3A : memref<!tpu.dma_semaphore, #tpu.memory_space<semaphore_mem>>)
      %dma_wait3A = arith.constant 0 : i32
      %dma_wait3A_89 = arith.constant 0 : i32
      %dma_wait3A_90 = tpu.memref_slice %arg13[%dma_wait3A, %dma_wait3A_89] : memref<512x16xf32, #tpu.memory_space<vmem>> -> memref<128x16xf32, #tpu.memory_space<vmem>>
      %dma_wait3A_91 = arith.constant 0 : i32
      %dma_wait3A_92 = tpu.memref_slice %arg17[%add3A_23, %dma_wait3A_91] : memref<10240x16xf32, #tpu.memory_space<vmem_shared>> -> memref<128x16xf32, #tpu.memory_space<vmem_shared>>
      %dma_wait3A_93 = arith.constant 0 : i32
      %dma_wait3A_94 = tpu.memref_slice %arg17[%add3A_23, %dma_wait3A_93] : memref<10240x16xf32, #tpu.memory_space<vmem_shared>> -> memref<128x16xf32, #tpu.memory_space<vmem_shared>>
      %dma_wait3A_95 = arith.constant 0 : i32
      %dma_wait3A_96 = arith.constant 0 : i32
      %dma_wait3A_97 = tpu.memref_slice %arg13[%dma_wait3A_95, %dma_wait3A_96] : memref<512x16xf32, #tpu.memory_space<vmem>> -> memref<128x16xf32, #tpu.memory_space<vmem>>
      tpu.wait_dma2 semaphore(%run_scoped3A : memref<!tpu.dma_semaphore, #tpu.memory_space<semaphore_mem>>) src(%dma_wait3A_97 : memref<128x16xf32, #tpu.memory_space<vmem>>) dst(%dma_wait3A_94 : memref<128x16xf32, #tpu.memory_space<vmem_shared>>)
      tpu.yield
    }) : () -> ()
    %barrier3A = arith.constant 0 : index
    tpu.barrier barrier_id(%barrier3A)
    %scan3A = arith.constant 0 : i32
    %scan3A_24 = arith.constant 40 : i32
    %scan3A_25 = arith.addi %scan3A, %scan3A_24 : i32
    %scan3A_26 = arith.constant 1 : i32
    scf.for %scan3A_80 = %scan3A to %scan3A_25 step %scan3A_26  : i32 {
      %mul3A_81 = arith.constant 1 : i32
      %mul3A_82 = arith.muli %scan3A_80, %mul3A_81 : i32
      %add3A_83 = arith.constant 0 : i32
      %add3A_84 = arith.addi %add3A_83, %mul3A_82 : i32
      %mul3A_85 = arith.constant 40 : i32
      %mul3A_86 = arith.muli %arg1, %mul3A_85 : i32
      %add3A_87 = arith.addi %mul3A_86, %add3A_84 : i32
      %mul3A_88 = arith.constant 640 : i32
      %mul3A_89 = arith.muli %arg0, %mul3A_88 : i32
      %add3A_90 = arith.addi %mul3A_89, %add3A_87 : i32
      "tpu.region"() ({
        %run_scoped3A_104 = tpu.sem_alloc : memref<!tpu.dma_semaphore, #tpu.memory_space<semaphore_mem>>
        %dma_start3A = arith.constant 0 : i32
        %dma_start3A_105 = arith.constant 0 : i32
        %dma_start3A_106 = tpu.memref_slice %arg2[%add3A_87, %dma_start3A, %dma_start3A_105] : memref<640x2x512xi32, #tpu.memory_space<hbm>> -> memref<1x2x512xi32, #tpu.memory_space<hbm>>
        %dma_start3A_107 = tpu.memref_squeeze %dma_start3A_106 : memref<1x2x512xi32, #tpu.memory_space<hbm>> -> memref<2x512xi32, #tpu.memory_space<hbm>>
        %dma_start3A_108 = arith.constant 0 : i32
        %dma_start3A_109 = arith.constant 0 : i32
        %dma_start3A_110 = tpu.memref_slice %arg2[%add3A_87, %dma_start3A_108, %dma_start3A_109] : memref<640x2x512xi32, #tpu.memory_space<hbm>> -> memref<1x2x512xi32, #tpu.memory_space<hbm>>
        %dma_start3A_111 = tpu.memref_squeeze %dma_start3A_110 : memref<1x2x512xi32, #tpu.memory_space<hbm>> -> memref<2x512xi32, #tpu.memory_space<hbm>>
        tpu.enqueue_dma source(%dma_start3A_111 : memref<2x512xi32, #tpu.memory_space<hbm>>) target(%arg9 : memref<2x512xi32, #tpu.memory_space<vmem>>) target_semaphore(%run_scoped3A_104 : memref<!tpu.dma_semaphore, #tpu.memory_space<semaphore_mem>>)
        %dma_wait3A = arith.constant 0 : i32
        %dma_wait3A_112 = arith.constant 0 : i32
        %dma_wait3A_113 = tpu.memref_slice %arg2[%add3A_87, %dma_wait3A, %dma_wait3A_112] : memref<640x2x512xi32, #tpu.memory_space<hbm>> -> memref<1x2x512xi32, #tpu.memory_space<hbm>>
        %dma_wait3A_114 = tpu.memref_squeeze %dma_wait3A_113 : memref<1x2x512xi32, #tpu.memory_space<hbm>> -> memref<2x512xi32, #tpu.memory_space<hbm>>
        %dma_wait3A_115 = arith.constant 0 : i32
        %dma_wait3A_116 = arith.constant 0 : i32
        %dma_wait3A_117 = tpu.memref_slice %arg2[%add3A_87, %dma_wait3A_115, %dma_wait3A_116] : memref<640x2x512xi32, #tpu.memory_space<hbm>> -> memref<1x2x512xi32, #tpu.memory_space<hbm>>
        %dma_wait3A_118 = tpu.memref_squeeze %dma_wait3A_117 : memref<1x2x512xi32, #tpu.memory_space<hbm>> -> memref<2x512xi32, #tpu.memory_space<hbm>>
        tpu.wait_dma2 semaphore(%run_scoped3A_104 : memref<!tpu.dma_semaphore, #tpu.memory_space<semaphore_mem>>) src(%dma_wait3A_118 : memref<2x512xi32, #tpu.memory_space<hbm>>) dst(%arg9 : memref<2x512xi32, #tpu.memory_space<vmem>>)
        tpu.yield
      }) : () -> ()
      %mul3A_91 = arith.constant 10240 : i32
      %mul3A_92 = arith.muli %arg0, %mul3A_91 : i32
      %parallel_loop3A_93 = arith.constant 0 : i32
      %parallel_loop3A_94 = arith.constant 32 : i32
      %parallel_loop3A_95 = arith.constant 1 : i32
      scf.for %parallel_loop3A_104 = %parallel_loop3A_93 to %parallel_loop3A_94 step %parallel_loop3A_95  : i32 {
        %parallel_loop3A_105 = arith.constant 16 : i32
        %parallel_loop3A_106 = arith.muli %parallel_loop3A_104, %parallel_loop3A_105 : i32
        %parallel_loop3A_107 = arith.constant 0 : i32
        %parallel_loop3A_108 = arith.index_cast %parallel_loop3A_107 : i32 to index
        %parallel_loop3A_109 = arith.index_cast %parallel_loop3A_106 : i32 to index
        %parallel_loop3A_110 = tpu.vector_load %arg9[%parallel_loop3A_108, %parallel_loop3A_109] {strides = array<i32>} : memref<2x512xi32, #tpu.memory_space<vmem>>, vector<16xi32>,
        %parallel_loop3A_111 = vector.broadcast %mul3A_92 : i32 to vector<16xi32>
        %parallel_loop3A_112 = arith.addi %parallel_loop3A_110, %parallel_loop3A_111 : vector<16xi32>
        %parallel_loop3A_113 = arith.index_cast %parallel_loop3A_106 : i32 to index
        %parallel_loop3A_114 = tpu.vector_load %arg10[%parallel_loop3A_113] {strides = array<i32>} : memref<512xi32, #tpu.memory_space<vmem>>, vector<16xi32>,
        tpu.vector_store %arg10[%parallel_loop3A_113], %parallel_loop3A_112 {strides = array<i32>} : memref<512xi32, #tpu.memory_space<vmem>>, vector<16xi32>,
      } {sc.loop_unroll_factor = 4 : i64, sc.parallel_access}
      %mul3A_96 = arith.constant 10240 : i32
      %mul3A_97 = arith.muli %arg0, %mul3A_96 : i32
      %parallel_loop3A_98 = arith.constant 0 : i32
      %parallel_loop3A_99 = arith.constant 32 : i32
      %parallel_loop3A_100 = arith.constant 1 : i32
      scf.for %parallel_loop3A_104 = %parallel_loop3A_98 to %parallel_loop3A_99 step %parallel_loop3A_100  : i32 {
        %parallel_loop3A_105 = arith.constant 16 : i32
        %parallel_loop3A_106 = arith.muli %parallel_loop3A_104, %parallel_loop3A_105 : i32
        %parallel_loop3A_107 = arith.constant 1 : i32
        %parallel_loop3A_108 = arith.index_cast %parallel_loop3A_107 : i32 to index
        %parallel_loop3A_109 = arith.index_cast %parallel_loop3A_106 : i32 to index
        %parallel_loop3A_110 = tpu.vector_load %arg9[%parallel_loop3A_108, %parallel_loop3A_109] {strides = array<i32>} : memref<2x512xi32, #tpu.memory_space<vmem>>, vector<16xi32>,
        %parallel_loop3A_111 = vector.broadcast %mul3A_97 : i32 to vector<16xi32>
        %parallel_loop3A_112 = arith.addi %parallel_loop3A_110, %parallel_loop3A_111 : vector<16xi32>
        %parallel_loop3A_113 = arith.index_cast %parallel_loop3A_106 : i32 to index
        %parallel_loop3A_114 = tpu.vector_load %arg16[%parallel_loop3A_113] {strides = array<i32>} : memref<512xi32, #tpu.memory_space<vmem>>, vector<16xi32>,
        tpu.vector_store %arg16[%parallel_loop3A_113], %parallel_loop3A_112 {strides = array<i32>} : memref<512xi32, #tpu.memory_space<vmem>>, vector<16xi32>,
      } {sc.loop_unroll_factor = 4 : i64, sc.parallel_access}
      "tpu.region"() ({
        %run_scoped3A_104 = tpu.sem_alloc : memref<!tpu.dma_semaphore, #tpu.memory_space<semaphore_mem>>
        %dma_start3A = arith.constant 0 : i32
        %dma_start3A_105 = arith.constant 0 : i32
        %dma_start3A_106 = tpu.memref_slice %arg3[%dma_start3A, %dma_start3A_105] : memref<20480x16xf32, #tpu.memory_space<hbm>> -> memref<20480x16xf32, #tpu.memory_space<hbm>>
        tpu.enqueue_indirect_dma source(%dma_start3A_106 : memref<20480x16xf32, #tpu.memory_space<hbm>>) target(%arg11 : memref<512x16xf32, #tpu.memory_space<vmem>>) offsets(%arg10 : memref<512xi32, #tpu.memory_space<vmem>>) semaphore(%run_scoped3A_104 : memref<!tpu.dma_semaphore, #tpu.memory_space<semaphore_mem>>)
        %dma_wait3A = arith.constant 0 : i32
        %dma_wait3A_107 = arith.constant 0 : i32
        %dma_wait3A_108 = tpu.memref_slice %arg3[%dma_wait3A, %dma_wait3A_107] : memref<20480x16xf32, #tpu.memory_space<hbm>> -> memref<20480x16xf32, #tpu.memory_space<hbm>>
        tpu.wait_indirect_dma semaphore(%run_scoped3A_104 : memref<!tpu.dma_semaphore, #tpu.memory_space<semaphore_mem>>) src(%dma_wait3A_108 : memref<20480x16xf32, #tpu.memory_space<hbm>>) dst(%arg11 : memref<512x16xf32, #tpu.memory_space<vmem>>)
        tpu.yield
      }) : () -> ()
      "tpu.region"() ({
        %run_scoped3A_104 = tpu.sem_alloc : memref<!tpu.dma_semaphore, #tpu.memory_space<semaphore_mem>>
        %dma_start3A = arith.constant 0 : i32
        %dma_start3A_105 = arith.constant 0 : i32
        %dma_start3A_106 = tpu.memref_slice %arg4[%dma_start3A, %dma_start3A_105] : memref<20480x16xf32, #tpu.memory_space<hbm>> -> memref<20480x16xf32, #tpu.memory_space<hbm>>
        tpu.enqueue_indirect_dma source(%dma_start3A_106 : memref<20480x16xf32, #tpu.memory_space<hbm>>) target(%arg12 : memref<512x16xf32, #tpu.memory_space<vmem>>) offsets(%arg16 : memref<512xi32, #tpu.memory_space<vmem>>) semaphore(%run_scoped3A_104 : memref<!tpu.dma_semaphore, #tpu.memory_space<semaphore_mem>>)
        %dma_wait3A = arith.constant 0 : i32
        %dma_wait3A_107 = arith.constant 0 : i32
        %dma_wait3A_108 = tpu.memref_slice %arg4[%dma_wait3A, %dma_wait3A_107] : memref<20480x16xf32, #tpu.memory_space<hbm>> -> memref<20480x16xf32, #tpu.memory_space<hbm>>
        tpu.wait_indirect_dma semaphore(%run_scoped3A_104 : memref<!tpu.dma_semaphore, #tpu.memory_space<semaphore_mem>>) src(%dma_wait3A_108 : memref<20480x16xf32, #tpu.memory_space<hbm>>) dst(%arg12 : memref<512x16xf32, #tpu.memory_space<vmem>>)
        tpu.yield
      }) : () -> ()
      %parallel_loop3A_101 = arith.constant 0 : i32
      %parallel_loop3A_102 = arith.constant 512 : i32
      %parallel_loop3A_103 = arith.constant 1 : i32
      scf.for %parallel_loop3A_104 = %parallel_loop3A_101 to %parallel_loop3A_102 step %parallel_loop3A_103  : i32 {
        %parallel_loop3A_105 = arith.index_cast %parallel_loop3A_104 : i32 to index
        %parallel_loop3A_106 = arith.constant 0 : index
        %parallel_loop3A_107 = tpu.vector_load %arg11[%parallel_loop3A_105, %parallel_loop3A_106] {strides = array<i32>} : memref<512x16xf32, #tpu.memory_space<vmem>>, vector<16xf32>,
        %parallel_loop3A_108 = arith.index_cast %parallel_loop3A_104 : i32 to index
        %parallel_loop3A_109 = arith.constant 0 : index
        %parallel_loop3A_110 = tpu.vector_load %arg12[%parallel_loop3A_108, %parallel_loop3A_109] {strides = array<i32>} : memref<512x16xf32, #tpu.memory_space<vmem>>, vector<16xf32>,
        %parallel_loop3A_111 = arith.addf %parallel_loop3A_107, %parallel_loop3A_110 : vector<16xf32>
        %parallel_loop3A_112 = arith.constant 0.000000e+00 : f32
        %parallel_loop3A_113 = vector.broadcast %parallel_loop3A_112 : f32 to vector<16xf32>
        %parallel_loop3A_114 = arith.cmpf ogt, %parallel_loop3A_111, %parallel_loop3A_113 : vector<16xf32>
        %parallel_loop3A_115 = arith.constant 2.000000e-01 : f32
        %parallel_loop3A_116 = vector.broadcast %parallel_loop3A_115 : f32 to vector<16xf32>
        %parallel_loop3A_117 = arith.mulf %parallel_loop3A_111, %parallel_loop3A_116 : vector<16xf32>
        %parallel_loop3A_118 = arith.select %parallel_loop3A_114, %parallel_loop3A_111, %parallel_loop3A_117 : vector<16xi1>, vector<16xf32>
        %parallel_loop3A_119 = arith.index_cast %parallel_loop3A_104 : i32 to index
        %parallel_loop3A_120 = arith.constant 0 : index
        %parallel_loop3A_121 = tpu.vector_load %arg13[%parallel_loop3A_119, %parallel_loop3A_120] {strides = array<i32>} : memref<512x16xf32, #tpu.memory_space<vmem>>, vector<16xf32>,
        tpu.vector_store %arg13[%parallel_loop3A_119, %parallel_loop3A_120], %parallel_loop3A_118 {strides = array<i32>} : memref<512x16xf32, #tpu.memory_space<vmem>>, vector<16xf32>,
      } {sc.loop_unroll_factor = 4 : i64, sc.parallel_access}
      "tpu.region"() ({
        %run_scoped3A_104 = tpu.sem_alloc : memref<!tpu.dma_semaphore, #tpu.memory_space<semaphore_mem>>
        %dma_start3A = arith.constant 0 : i32
        %dma_start3A_105 = arith.constant 0 : i32
        %dma_start3A_106 = tpu.memref_slice %arg7[%add3A_90, %dma_start3A, %dma_start3A_105] : memref<1280x512x16xf32, #tpu.memory_space<hbm>> -> memref<1x512x16xf32, #tpu.memory_space<hbm>>
        %dma_start3A_107 = tpu.memref_squeeze %dma_start3A_106 : memref<1x512x16xf32, #tpu.memory_space<hbm>> -> memref<512x16xf32, #tpu.memory_space<hbm>>
        %dma_start3A_108 = arith.constant 0 : i32
        %dma_start3A_109 = arith.constant 0 : i32
        %dma_start3A_110 = tpu.memref_slice %arg7[%add3A_90, %dma_start3A_108, %dma_start3A_109] : memref<1280x512x16xf32, #tpu.memory_space<hbm>> -> memref<1x512x16xf32, #tpu.memory_space<hbm>>
        %dma_start3A_111 = tpu.memref_squeeze %dma_start3A_110 : memref<1x512x16xf32, #tpu.memory_space<hbm>> -> memref<512x16xf32, #tpu.memory_space<hbm>>
        tpu.enqueue_dma source(%arg13 : memref<512x16xf32, #tpu.memory_space<vmem>>) target(%dma_start3A_111 : memref<512x16xf32, #tpu.memory_space<hbm>>) target_semaphore(%run_scoped3A_104 : memref<!tpu.dma_semaphore, #tpu.memory_space<semaphore_mem>>)
        %dma_wait3A = arith.constant 0 : i32
        %dma_wait3A_112 = arith.constant 0 : i32
        %dma_wait3A_113 = tpu.memref_slice %arg7[%add3A_90, %dma_wait3A, %dma_wait3A_112] : memref<1280x512x16xf32, #tpu.memory_space<hbm>> -> memref<1x512x16xf32, #tpu.memory_space<hbm>>
        %dma_wait3A_114 = tpu.memref_squeeze %dma_wait3A_113 : memref<1x512x16xf32, #tpu.memory_space<hbm>> -> memref<512x16xf32, #tpu.memory_space<hbm>>
        %dma_wait3A_115 = arith.constant 0 : i32
        %dma_wait3A_116 = arith.constant 0 : i32
        %dma_wait3A_117 = tpu.memref_slice %arg7[%add3A_90, %dma_wait3A_115, %dma_wait3A_116] : memref<1280x512x16xf32, #tpu.memory_space<hbm>> -> memref<1x512x16xf32, #tpu.memory_space<hbm>>
        %dma_wait3A_118 = tpu.memref_squeeze %dma_wait3A_117 : memref<1x512x16xf32, #tpu.memory_space<hbm>> -> memref<512x16xf32, #tpu.memory_space<hbm>>
        tpu.wait_dma2 semaphore(%run_scoped3A_104 : memref<!tpu.dma_semaphore, #tpu.memory_space<semaphore_mem>>) src(%arg13 : memref<512x16xf32, #tpu.memory_space<vmem>>) dst(%dma_wait3A_118 : memref<512x16xf32, #tpu.memory_space<hbm>>)
        tpu.yield
      }) : () -> ()
      %run_scoped3A = arith.constant 0 : i32
      "tpu.region"() ({
        %run_scoped3A_104 = tpu.sem_alloc : memref<!tpu.dma_semaphore, #tpu.memory_space<semaphore_mem>>
        %dma_start3A = arith.constant 0 : i32
        %dma_start3A_105 = tpu.memref_slice %arg9[%run_scoped3A, %dma_start3A] : memref<2x512xi32, #tpu.memory_space<vmem>> -> memref<1x512xi32, #tpu.memory_space<vmem>>
        %dma_start3A_106 = tpu.memref_squeeze %dma_start3A_105 : memref<1x512xi32, #tpu.memory_space<vmem>> -> memref<512xi32, #tpu.memory_space<vmem>>
        %dma_start3A_107 = arith.constant 0 : i32
        %dma_start3A_108 = arith.constant 0 : i32
        %dma_start3A_109 = tpu.memref_slice %arg17[%dma_start3A_107, %dma_start3A_108] : memref<10240x16xf32, #tpu.memory_space<vmem_shared>> -> memref<10240x16xf32, #tpu.memory_space<vmem_shared>>
        tpu.enqueue_indirect_dma source(%arg13 : memref<512x16xf32, #tpu.memory_space<vmem>>) target(%dma_start3A_109 : memref<10240x16xf32, #tpu.memory_space<vmem_shared>>) offsets(%dma_start3A_106 : memref<512xi32, #tpu.memory_space<vmem>>) semaphore(%run_scoped3A_104 : memref<!tpu.dma_semaphore, #tpu.memory_space<semaphore_mem>>) {add = true}
        %dma_wait3A = arith.constant 0 : i32
        %dma_wait3A_110 = tpu.memref_slice %arg9[%run_scoped3A, %dma_wait3A] : memref<2x512xi32, #tpu.memory_space<vmem>> -> memref<1x512xi32, #tpu.memory_space<vmem>>
        %dma_wait3A_111 = tpu.memref_squeeze %dma_wait3A_110 : memref<1x512xi32, #tpu.memory_space<vmem>> -> memref<512xi32, #tpu.memory_space<vmem>>
        %dma_wait3A_112 = arith.constant 0 : i32
        %dma_wait3A_113 = arith.constant 0 : i32
        %dma_wait3A_114 = tpu.memref_slice %arg17[%dma_wait3A_112, %dma_wait3A_113] : memref<10240x16xf32, #tpu.memory_space<vmem_shared>> -> memref<10240x16xf32, #tpu.memory_space<vmem_shared>>
        tpu.wait_indirect_dma semaphore(%run_scoped3A_104 : memref<!tpu.dma_semaphore, #tpu.memory_space<semaphore_mem>>) src(%arg13 : memref<512x16xf32, #tpu.memory_space<vmem>>) dst(%dma_wait3A_114 : memref<10240x16xf32, #tpu.memory_space<vmem_shared>>)
        tpu.yield
      }) : () -> ()
    }
    %scan3A_27 = arith.constant 40 : i32
    %barrier3A_28 = arith.constant 0 : index
    tpu.barrier barrier_id(%barrier3A_28)
    %scan3A_29 = arith.constant 0 : i32
    %scan3A_30 = arith.constant 40 : i32
    %scan3A_31 = arith.addi %scan3A_29, %scan3A_30 : i32
    %scan3A_32 = arith.constant 1 : i32
    scf.for %scan3A_80 = %scan3A_29 to %scan3A_31 step %scan3A_32  : i32 {
      %mul3A_81 = arith.constant 1 : i32
      %mul3A_82 = arith.muli %scan3A_80, %mul3A_81 : i32
      %add3A_83 = arith.constant 0 : i32
      %add3A_84 = arith.addi %add3A_83, %mul3A_82 : i32
      %mul3A_85 = arith.constant 40 : i32
      %mul3A_86 = arith.muli %arg1, %mul3A_85 : i32
      %add3A_87 = arith.addi %mul3A_86, %add3A_84 : i32
      %mul3A_88 = arith.constant 640 : i32
      %mul3A_89 = arith.muli %arg0, %mul3A_88 : i32
      %add3A_90 = arith.addi %mul3A_89, %add3A_87 : i32
      "tpu.region"() ({
        %run_scoped3A_95 = tpu.sem_alloc : memref<!tpu.dma_semaphore, #tpu.memory_space<semaphore_mem>>
        %dma_start3A = arith.constant 0 : i32
        %dma_start3A_96 = arith.constant 0 : i32
        %dma_start3A_97 = tpu.memref_slice %arg2[%add3A_87, %dma_start3A, %dma_start3A_96] : memref<640x2x512xi32, #tpu.memory_space<hbm>> -> memref<1x2x512xi32, #tpu.memory_space<hbm>>
        %dma_start3A_98 = tpu.memref_squeeze %dma_start3A_97 : memref<1x2x512xi32, #tpu.memory_space<hbm>> -> memref<2x512xi32, #tpu.memory_space<hbm>>
        %dma_start3A_99 = arith.constant 0 : i32
        %dma_start3A_100 = arith.constant 0 : i32
        %dma_start3A_101 = tpu.memref_slice %arg2[%add3A_87, %dma_start3A_99, %dma_start3A_100] : memref<640x2x512xi32, #tpu.memory_space<hbm>> -> memref<1x2x512xi32, #tpu.memory_space<hbm>>
        %dma_start3A_102 = tpu.memref_squeeze %dma_start3A_101 : memref<1x2x512xi32, #tpu.memory_space<hbm>> -> memref<2x512xi32, #tpu.memory_space<hbm>>
        tpu.enqueue_dma source(%dma_start3A_102 : memref<2x512xi32, #tpu.memory_space<hbm>>) target(%arg9 : memref<2x512xi32, #tpu.memory_space<vmem>>) target_semaphore(%run_scoped3A_95 : memref<!tpu.dma_semaphore, #tpu.memory_space<semaphore_mem>>)
        %dma_wait3A = arith.constant 0 : i32
        %dma_wait3A_103 = arith.constant 0 : i32
        %dma_wait3A_104 = tpu.memref_slice %arg2[%add3A_87, %dma_wait3A, %dma_wait3A_103] : memref<640x2x512xi32, #tpu.memory_space<hbm>> -> memref<1x2x512xi32, #tpu.memory_space<hbm>>
        %dma_wait3A_105 = tpu.memref_squeeze %dma_wait3A_104 : memref<1x2x512xi32, #tpu.memory_space<hbm>> -> memref<2x512xi32, #tpu.memory_space<hbm>>
        %dma_wait3A_106 = arith.constant 0 : i32
        %dma_wait3A_107 = arith.constant 0 : i32
        %dma_wait3A_108 = tpu.memref_slice %arg2[%add3A_87, %dma_wait3A_106, %dma_wait3A_107] : memref<640x2x512xi32, #tpu.memory_space<hbm>> -> memref<1x2x512xi32, #tpu.memory_space<hbm>>
        %dma_wait3A_109 = tpu.memref_squeeze %dma_wait3A_108 : memref<1x2x512xi32, #tpu.memory_space<hbm>> -> memref<2x512xi32, #tpu.memory_space<hbm>>
        tpu.wait_dma2 semaphore(%run_scoped3A_95 : memref<!tpu.dma_semaphore, #tpu.memory_space<semaphore_mem>>) src(%dma_wait3A_109 : memref<2x512xi32, #tpu.memory_space<hbm>>) dst(%arg9 : memref<2x512xi32, #tpu.memory_space<vmem>>)
        tpu.yield
      }) : () -> ()
      "tpu.region"() ({
        %run_scoped3A_95 = tpu.sem_alloc : memref<!tpu.dma_semaphore, #tpu.memory_space<semaphore_mem>>
        %dma_start3A = arith.constant 0 : i32
        %dma_start3A_96 = arith.constant 0 : i32
        %dma_start3A_97 = tpu.memref_slice %arg7[%add3A_90, %dma_start3A, %dma_start3A_96] : memref<1280x512x16xf32, #tpu.memory_space<hbm>> -> memref<1x512x16xf32, #tpu.memory_space<hbm>>
        %dma_start3A_98 = tpu.memref_squeeze %dma_start3A_97 : memref<1x512x16xf32, #tpu.memory_space<hbm>> -> memref<512x16xf32, #tpu.memory_space<hbm>>
        %dma_start3A_99 = arith.constant 0 : i32
        %dma_start3A_100 = arith.constant 0 : i32
        %dma_start3A_101 = tpu.memref_slice %arg7[%add3A_90, %dma_start3A_99, %dma_start3A_100] : memref<1280x512x16xf32, #tpu.memory_space<hbm>> -> memref<1x512x16xf32, #tpu.memory_space<hbm>>
        %dma_start3A_102 = tpu.memref_squeeze %dma_start3A_101 : memref<1x512x16xf32, #tpu.memory_space<hbm>> -> memref<512x16xf32, #tpu.memory_space<hbm>>
        tpu.enqueue_dma source(%dma_start3A_102 : memref<512x16xf32, #tpu.memory_space<hbm>>) target(%arg13 : memref<512x16xf32, #tpu.memory_space<vmem>>) target_semaphore(%run_scoped3A_95 : memref<!tpu.dma_semaphore, #tpu.memory_space<semaphore_mem>>)
        %dma_wait3A = arith.constant 0 : i32
        %dma_wait3A_103 = arith.constant 0 : i32
        %dma_wait3A_104 = tpu.memref_slice %arg7[%add3A_90, %dma_wait3A, %dma_wait3A_103] : memref<1280x512x16xf32, #tpu.memory_space<hbm>> -> memref<1x512x16xf32, #tpu.memory_space<hbm>>
        %dma_wait3A_105 = tpu.memref_squeeze %dma_wait3A_104 : memref<1x512x16xf32, #tpu.memory_space<hbm>> -> memref<512x16xf32, #tpu.memory_space<hbm>>
        %dma_wait3A_106 = arith.constant 0 : i32
        %dma_wait3A_107 = arith.constant 0 : i32
        %dma_wait3A_108 = tpu.memref_slice %arg7[%add3A_90, %dma_wait3A_106, %dma_wait3A_107] : memref<1280x512x16xf32, #tpu.memory_space<hbm>> -> memref<1x512x16xf32, #tpu.memory_space<hbm>>
        %dma_wait3A_109 = tpu.memref_squeeze %dma_wait3A_108 : memref<1x512x16xf32, #tpu.memory_space<hbm>> -> memref<512x16xf32, #tpu.memory_space<hbm>>
        tpu.wait_dma2 semaphore(%run_scoped3A_95 : memref<!tpu.dma_semaphore, #tpu.memory_space<semaphore_mem>>) src(%dma_wait3A_109 : memref<512x16xf32, #tpu.memory_space<hbm>>) dst(%arg13 : memref<512x16xf32, #tpu.memory_space<vmem>>)
        tpu.yield
      }) : () -> ()
      %run_scoped3A = arith.constant 0 : i32
      "tpu.region"() ({
        %run_scoped3A_95 = tpu.sem_alloc : memref<!tpu.dma_semaphore, #tpu.memory_space<semaphore_mem>>
        %dma_start3A = arith.constant 0 : i32
        %dma_start3A_96 = tpu.memref_slice %arg9[%run_scoped3A, %dma_start3A] : memref<2x512xi32, #tpu.memory_space<vmem>> -> memref<1x512xi32, #tpu.memory_space<vmem>>
        %dma_start3A_97 = tpu.memref_squeeze %dma_start3A_96 : memref<1x512xi32, #tpu.memory_space<vmem>> -> memref<512xi32, #tpu.memory_space<vmem>>
        %dma_start3A_98 = arith.constant 0 : i32
        %dma_start3A_99 = arith.constant 0 : i32
        %dma_start3A_100 = tpu.memref_slice %arg17[%dma_start3A_98, %dma_start3A_99] : memref<10240x16xf32, #tpu.memory_space<vmem_shared>> -> memref<10240x16xf32, #tpu.memory_space<vmem_shared>>
        tpu.enqueue_indirect_dma source(%dma_start3A_100 : memref<10240x16xf32, #tpu.memory_space<vmem_shared>>) target(%arg14 : memref<512x16xf32, #tpu.memory_space<vmem>>) offsets(%dma_start3A_97 : memref<512xi32, #tpu.memory_space<vmem>>) semaphore(%run_scoped3A_95 : memref<!tpu.dma_semaphore, #tpu.memory_space<semaphore_mem>>)
        %dma_wait3A = arith.constant 0 : i32
        %dma_wait3A_101 = tpu.memref_slice %arg9[%run_scoped3A, %dma_wait3A] : memref<2x512xi32, #tpu.memory_space<vmem>> -> memref<1x512xi32, #tpu.memory_space<vmem>>
        %dma_wait3A_102 = tpu.memref_squeeze %dma_wait3A_101 : memref<1x512xi32, #tpu.memory_space<vmem>> -> memref<512xi32, #tpu.memory_space<vmem>>
        %dma_wait3A_103 = arith.constant 0 : i32
        %dma_wait3A_104 = arith.constant 0 : i32
        %dma_wait3A_105 = tpu.memref_slice %arg17[%dma_wait3A_103, %dma_wait3A_104] : memref<10240x16xf32, #tpu.memory_space<vmem_shared>> -> memref<10240x16xf32, #tpu.memory_space<vmem_shared>>
        tpu.wait_indirect_dma semaphore(%run_scoped3A_95 : memref<!tpu.dma_semaphore, #tpu.memory_space<semaphore_mem>>) src(%dma_wait3A_105 : memref<10240x16xf32, #tpu.memory_space<vmem_shared>>) dst(%arg14 : memref<512x16xf32, #tpu.memory_space<vmem>>)
        tpu.yield
      }) : () -> ()
      %parallel_loop3A_91 = arith.constant 0 : i32
      %parallel_loop3A_92 = arith.constant 512 : i32
      %parallel_loop3A_93 = arith.constant 1 : i32
      scf.for %parallel_loop3A_95 = %parallel_loop3A_91 to %parallel_loop3A_92 step %parallel_loop3A_93  : i32 {
        %parallel_loop3A_96 = arith.index_cast %parallel_loop3A_95 : i32 to index
        %parallel_loop3A_97 = arith.constant 0 : index
        %parallel_loop3A_98 = tpu.vector_load %arg13[%parallel_loop3A_96, %parallel_loop3A_97] {strides = array<i32>} : memref<512x16xf32, #tpu.memory_space<vmem>>, vector<16xf32>,
        %parallel_loop3A_99 = arith.index_cast %parallel_loop3A_95 : i32 to index
        %parallel_loop3A_100 = arith.constant 0 : index
        %parallel_loop3A_101 = tpu.vector_load %arg14[%parallel_loop3A_99, %parallel_loop3A_100] {strides = array<i32>} : memref<512x16xf32, #tpu.memory_space<vmem>>, vector<16xf32>,
        %parallel_loop3A_102 = arith.subf %parallel_loop3A_98, %parallel_loop3A_101 : vector<16xf32>
        %parallel_loop3A_103 = math.exp %parallel_loop3A_102 : vector<16xf32>
        %parallel_loop3A_104 = arith.constant 0 : i32
        %parallel_loop3A_105 = vector.broadcast %parallel_loop3A_104 : i32 to vector<16xi32>
        %parallel_loop3A_106 = arith.cmpi slt, %max3A_8, %parallel_loop3A_105 : vector<16xi32>
        %parallel_loop3A_107 = arith.constant 16 : i32
        %parallel_loop3A_108 = vector.broadcast %parallel_loop3A_107 : i32 to vector<16xi32>
        %parallel_loop3A_109 = arith.addi %max3A_8, %parallel_loop3A_108 : vector<16xi32>
        %parallel_loop3A_110 = arith.select %parallel_loop3A_106, %parallel_loop3A_109, %max3A_8 : vector<16xi1>, vector<16xi32>
        %parallel_loop3A_111 = vector.shape_cast %parallel_loop3A_110 : vector<16xi32> to vector<16x1xi32>
        %parallel_loop3A_112 = vector.shape_cast %parallel_loop3A_111 : vector<16x1xi32> to vector<16xi32>
        %parallel_loop3A_113 = tpu.dynamic_gather %parallel_loop3A_103[%parallel_loop3A_112] in [0] : vector<16xf32>, vector<16xi32> -> vector<16xf32>
        %parallel_loop3A_114 = arith.constant 0.000000e+00 : f32
        %parallel_loop3A_115 = vector.broadcast %parallel_loop3A_114 : f32 to vector<16xf32>
        %parallel_loop3A_116 = arith.select %and3A, %parallel_loop3A_113, %parallel_loop3A_115 : vector<16xi1>, vector<16xf32>
        %parallel_loop3A_117 = arith.index_cast %parallel_loop3A_95 : i32 to index
        %parallel_loop3A_118 = arith.constant 0 : index
        %parallel_loop3A_119 = tpu.vector_load %arg12[%parallel_loop3A_117, %parallel_loop3A_118] {strides = array<i32>} : memref<512x16xf32, #tpu.memory_space<vmem>>, vector<16xf32>,
        tpu.vector_store %arg12[%parallel_loop3A_117, %parallel_loop3A_118], %parallel_loop3A_116 {strides = array<i32>} : memref<512x16xf32, #tpu.memory_space<vmem>>, vector<16xf32>,
      } {sc.loop_unroll_factor = 4 : i64, sc.parallel_access}
      "tpu.region"() ({
        %run_scoped3A_95 = tpu.sem_alloc : memref<!tpu.dma_semaphore, #tpu.memory_space<semaphore_mem>>
        %dma_start3A = arith.constant 0 : i32
        %dma_start3A_96 = arith.constant 0 : i32
        %dma_start3A_97 = tpu.memref_slice %arg8[%add3A_90, %dma_start3A, %dma_start3A_96] : memref<1280x512x16xf32, #tpu.memory_space<hbm>> -> memref<1x512x16xf32, #tpu.memory_space<hbm>>
        %dma_start3A_98 = tpu.memref_squeeze %dma_start3A_97 : memref<1x512x16xf32, #tpu.memory_space<hbm>> -> memref<512x16xf32, #tpu.memory_space<hbm>>
        %dma_start3A_99 = arith.constant 0 : i32
        %dma_start3A_100 = arith.constant 0 : i32
        %dma_start3A_101 = tpu.memref_slice %arg8[%add3A_90, %dma_start3A_99, %dma_start3A_100] : memref<1280x512x16xf32, #tpu.memory_space<hbm>> -> memref<1x512x16xf32, #tpu.memory_space<hbm>>
        %dma_start3A_102 = tpu.memref_squeeze %dma_start3A_101 : memref<1x512x16xf32, #tpu.memory_space<hbm>> -> memref<512x16xf32, #tpu.memory_space<hbm>>
        tpu.enqueue_dma source(%arg12 : memref<512x16xf32, #tpu.memory_space<vmem>>) target(%dma_start3A_102 : memref<512x16xf32, #tpu.memory_space<hbm>>) target_semaphore(%run_scoped3A_95 : memref<!tpu.dma_semaphore, #tpu.memory_space<semaphore_mem>>)
        %dma_wait3A = arith.constant 0 : i32
        %dma_wait3A_103 = arith.constant 0 : i32
        %dma_wait3A_104 = tpu.memref_slice %arg8[%add3A_90, %dma_wait3A, %dma_wait3A_103] : memref<1280x512x16xf32, #tpu.memory_space<hbm>> -> memref<1x512x16xf32, #tpu.memory_space<hbm>>
        %dma_wait3A_105 = tpu.memref_squeeze %dma_wait3A_104 : memref<1x512x16xf32, #tpu.memory_space<hbm>> -> memref<512x16xf32, #tpu.memory_space<hbm>>
        %dma_wait3A_106 = arith.constant 0 : i32
        %dma_wait3A_107 = arith.constant 0 : i32
        %dma_wait3A_108 = tpu.memref_slice %arg8[%add3A_90, %dma_wait3A_106, %dma_wait3A_107] : memref<1280x512x16xf32, #tpu.memory_space<hbm>> -> memref<1x512x16xf32, #tpu.memory_space<hbm>>
        %dma_wait3A_109 = tpu.memref_squeeze %dma_wait3A_108 : memref<1x512x16xf32, #tpu.memory_space<hbm>> -> memref<512x16xf32, #tpu.memory_space<hbm>>
        tpu.wait_dma2 semaphore(%run_scoped3A_95 : memref<!tpu.dma_semaphore, #tpu.memory_space<semaphore_mem>>) src(%arg12 : memref<512x16xf32, #tpu.memory_space<vmem>>) dst(%dma_wait3A_109 : memref<512x16xf32, #tpu.memory_space<hbm>>)
        tpu.yield
      }) : () -> ()
      %run_scoped3A_94 = arith.constant 0 : i32
      "tpu.region"() ({
        %run_scoped3A_95 = tpu.sem_alloc : memref<!tpu.dma_semaphore, #tpu.memory_space<semaphore_mem>>
        %dma_start3A = arith.constant 0 : i32
        %dma_start3A_96 = tpu.memref_slice %arg9[%run_scoped3A_94, %dma_start3A] : memref<2x512xi32, #tpu.memory_space<vmem>> -> memref<1x512xi32, #tpu.memory_space<vmem>>
        %dma_start3A_97 = tpu.memref_squeeze %dma_start3A_96 : memref<1x512xi32, #tpu.memory_space<vmem>> -> memref<512xi32, #tpu.memory_space<vmem>>
        %dma_start3A_98 = arith.constant 0 : i32
        %dma_start3A_99 = arith.constant 0 : i32
        %dma_start3A_100 = tpu.memref_slice %arg17[%dma_start3A_98, %dma_start3A_99] : memref<10240x16xf32, #tpu.memory_space<vmem_shared>> -> memref<10240x16xf32, #tpu.memory_space<vmem_shared>>
        tpu.enqueue_indirect_dma source(%arg12 : memref<512x16xf32, #tpu.memory_space<vmem>>) target(%dma_start3A_100 : memref<10240x16xf32, #tpu.memory_space<vmem_shared>>) offsets(%dma_start3A_97 : memref<512xi32, #tpu.memory_space<vmem>>) semaphore(%run_scoped3A_95 : memref<!tpu.dma_semaphore, #tpu.memory_space<semaphore_mem>>) {add = true}
        %dma_wait3A = arith.constant 0 : i32
        %dma_wait3A_101 = tpu.memref_slice %arg9[%run_scoped3A_94, %dma_wait3A] : memref<2x512xi32, #tpu.memory_space<vmem>> -> memref<1x512xi32, #tpu.memory_space<vmem>>
        %dma_wait3A_102 = tpu.memref_squeeze %dma_wait3A_101 : memref<1x512xi32, #tpu.memory_space<vmem>> -> memref<512xi32, #tpu.memory_space<vmem>>
        %dma_wait3A_103 = arith.constant 0 : i32
        %dma_wait3A_104 = arith.constant 0 : i32
        %dma_wait3A_105 = tpu.memref_slice %arg17[%dma_wait3A_103, %dma_wait3A_104] : memref<10240x16xf32, #tpu.memory_space<vmem_shared>> -> memref<10240x16xf32, #tpu.memory_space<vmem_shared>>
        tpu.wait_indirect_dma semaphore(%run_scoped3A_95 : memref<!tpu.dma_semaphore, #tpu.memory_space<semaphore_mem>>) src(%arg12 : memref<512x16xf32, #tpu.memory_space<vmem>>) dst(%dma_wait3A_105 : memref<10240x16xf32, #tpu.memory_space<vmem_shared>>)
        tpu.yield
      }) : () -> ()
    }
    %scan3A_33 = arith.constant 40 : i32
    %barrier3A_34 = arith.constant 0 : index
    tpu.barrier barrier_id(%barrier3A_34)
    %scan3A_35 = arith.constant 0 : i32
    %scan3A_36 = arith.constant 40 : i32
    %scan3A_37 = arith.addi %scan3A_35, %scan3A_36 : i32
    %scan3A_38 = arith.constant 1 : i32
    scf.for %scan3A_80 = %scan3A_35 to %scan3A_37 step %scan3A_38  : i32 {
      %mul3A_81 = arith.constant 1 : i32
      %mul3A_82 = arith.muli %scan3A_80, %mul3A_81 : i32
      %add3A_83 = arith.constant 0 : i32
      %add3A_84 = arith.addi %add3A_83, %mul3A_82 : i32
      %mul3A_85 = arith.constant 40 : i32
      %mul3A_86 = arith.muli %arg1, %mul3A_85 : i32
      %add3A_87 = arith.addi %mul3A_86, %add3A_84 : i32
      %mul3A_88 = arith.constant 640 : i32
      %mul3A_89 = arith.muli %arg0, %mul3A_88 : i32
      %add3A_90 = arith.addi %mul3A_89, %add3A_87 : i32
      "tpu.region"() ({
        %run_scoped3A_107 = tpu.sem_alloc : memref<!tpu.dma_semaphore, #tpu.memory_space<semaphore_mem>>
        %dma_start3A = arith.constant 0 : i32
        %dma_start3A_108 = arith.constant 0 : i32
        %dma_start3A_109 = tpu.memref_slice %arg2[%add3A_87, %dma_start3A, %dma_start3A_108] : memref<640x2x512xi32, #tpu.memory_space<hbm>> -> memref<1x2x512xi32, #tpu.memory_space<hbm>>
        %dma_start3A_110 = tpu.memref_squeeze %dma_start3A_109 : memref<1x2x512xi32, #tpu.memory_space<hbm>> -> memref<2x512xi32, #tpu.memory_space<hbm>>
        %dma_start3A_111 = arith.constant 0 : i32
        %dma_start3A_112 = arith.constant 0 : i32
        %dma_start3A_113 = tpu.memref_slice %arg2[%add3A_87, %dma_start3A_111, %dma_start3A_112] : memref<640x2x512xi32, #tpu.memory_space<hbm>> -> memref<1x2x512xi32, #tpu.memory_space<hbm>>
        %dma_start3A_114 = tpu.memref_squeeze %dma_start3A_113 : memref<1x2x512xi32, #tpu.memory_space<hbm>> -> memref<2x512xi32, #tpu.memory_space<hbm>>
        tpu.enqueue_dma source(%dma_start3A_114 : memref<2x512xi32, #tpu.memory_space<hbm>>) target(%arg9 : memref<2x512xi32, #tpu.memory_space<vmem>>) target_semaphore(%run_scoped3A_107 : memref<!tpu.dma_semaphore, #tpu.memory_space<semaphore_mem>>)
        %dma_wait3A = arith.constant 0 : i32
        %dma_wait3A_115 = arith.constant 0 : i32
        %dma_wait3A_116 = tpu.memref_slice %arg2[%add3A_87, %dma_wait3A, %dma_wait3A_115] : memref<640x2x512xi32, #tpu.memory_space<hbm>> -> memref<1x2x512xi32, #tpu.memory_space<hbm>>
        %dma_wait3A_117 = tpu.memref_squeeze %dma_wait3A_116 : memref<1x2x512xi32, #tpu.memory_space<hbm>> -> memref<2x512xi32, #tpu.memory_space<hbm>>
        %dma_wait3A_118 = arith.constant 0 : i32
        %dma_wait3A_119 = arith.constant 0 : i32
        %dma_wait3A_120 = tpu.memref_slice %arg2[%add3A_87, %dma_wait3A_118, %dma_wait3A_119] : memref<640x2x512xi32, #tpu.memory_space<hbm>> -> memref<1x2x512xi32, #tpu.memory_space<hbm>>
        %dma_wait3A_121 = tpu.memref_squeeze %dma_wait3A_120 : memref<1x2x512xi32, #tpu.memory_space<hbm>> -> memref<2x512xi32, #tpu.memory_space<hbm>>
        tpu.wait_dma2 semaphore(%run_scoped3A_107 : memref<!tpu.dma_semaphore, #tpu.memory_space<semaphore_mem>>) src(%dma_wait3A_121 : memref<2x512xi32, #tpu.memory_space<hbm>>) dst(%arg9 : memref<2x512xi32, #tpu.memory_space<vmem>>)
        tpu.yield
      }) : () -> ()
      "tpu.region"() ({
        %run_scoped3A_107 = tpu.sem_alloc : memref<!tpu.dma_semaphore, #tpu.memory_space<semaphore_mem>>
        %dma_start3A = arith.constant 0 : i32
        %dma_start3A_108 = arith.constant 0 : i32
        %dma_start3A_109 = tpu.memref_slice %arg8[%add3A_90, %dma_start3A, %dma_start3A_108] : memref<1280x512x16xf32, #tpu.memory_space<hbm>> -> memref<1x512x16xf32, #tpu.memory_space<hbm>>
        %dma_start3A_110 = tpu.memref_squeeze %dma_start3A_109 : memref<1x512x16xf32, #tpu.memory_space<hbm>> -> memref<512x16xf32, #tpu.memory_space<hbm>>
        %dma_start3A_111 = arith.constant 0 : i32
        %dma_start3A_112 = arith.constant 0 : i32
        %dma_start3A_113 = tpu.memref_slice %arg8[%add3A_90, %dma_start3A_111, %dma_start3A_112] : memref<1280x512x16xf32, #tpu.memory_space<hbm>> -> memref<1x512x16xf32, #tpu.memory_space<hbm>>
        %dma_start3A_114 = tpu.memref_squeeze %dma_start3A_113 : memref<1x512x16xf32, #tpu.memory_space<hbm>> -> memref<512x16xf32, #tpu.memory_space<hbm>>
        tpu.enqueue_dma source(%dma_start3A_114 : memref<512x16xf32, #tpu.memory_space<hbm>>) target(%arg12 : memref<512x16xf32, #tpu.memory_space<vmem>>) target_semaphore(%run_scoped3A_107 : memref<!tpu.dma_semaphore, #tpu.memory_space<semaphore_mem>>)
        %dma_wait3A = arith.constant 0 : i32
        %dma_wait3A_115 = arith.constant 0 : i32
        %dma_wait3A_116 = tpu.memref_slice %arg8[%add3A_90, %dma_wait3A, %dma_wait3A_115] : memref<1280x512x16xf32, #tpu.memory_space<hbm>> -> memref<1x512x16xf32, #tpu.memory_space<hbm>>
        %dma_wait3A_117 = tpu.memref_squeeze %dma_wait3A_116 : memref<1x512x16xf32, #tpu.memory_space<hbm>> -> memref<512x16xf32, #tpu.memory_space<hbm>>
        %dma_wait3A_118 = arith.constant 0 : i32
        %dma_wait3A_119 = arith.constant 0 : i32
        %dma_wait3A_120 = tpu.memref_slice %arg8[%add3A_90, %dma_wait3A_118, %dma_wait3A_119] : memref<1280x512x16xf32, #tpu.memory_space<hbm>> -> memref<1x512x16xf32, #tpu.memory_space<hbm>>
        %dma_wait3A_121 = tpu.memref_squeeze %dma_wait3A_120 : memref<1x512x16xf32, #tpu.memory_space<hbm>> -> memref<512x16xf32, #tpu.memory_space<hbm>>
        tpu.wait_dma2 semaphore(%run_scoped3A_107 : memref<!tpu.dma_semaphore, #tpu.memory_space<semaphore_mem>>) src(%dma_wait3A_121 : memref<512x16xf32, #tpu.memory_space<hbm>>) dst(%arg12 : memref<512x16xf32, #tpu.memory_space<vmem>>)
        tpu.yield
      }) : () -> ()
      %run_scoped3A = arith.constant 0 : i32
      "tpu.region"() ({
        %run_scoped3A_107 = tpu.sem_alloc : memref<!tpu.dma_semaphore, #tpu.memory_space<semaphore_mem>>
        %dma_start3A = arith.constant 0 : i32
        %dma_start3A_108 = tpu.memref_slice %arg9[%run_scoped3A, %dma_start3A] : memref<2x512xi32, #tpu.memory_space<vmem>> -> memref<1x512xi32, #tpu.memory_space<vmem>>
        %dma_start3A_109 = tpu.memref_squeeze %dma_start3A_108 : memref<1x512xi32, #tpu.memory_space<vmem>> -> memref<512xi32, #tpu.memory_space<vmem>>
        %dma_start3A_110 = arith.constant 0 : i32
        %dma_start3A_111 = arith.constant 0 : i32
        %dma_start3A_112 = tpu.memref_slice %arg17[%dma_start3A_110, %dma_start3A_111] : memref<10240x16xf32, #tpu.memory_space<vmem_shared>> -> memref<10240x16xf32, #tpu.memory_space<vmem_shared>>
        tpu.enqueue_indirect_dma source(%dma_start3A_112 : memref<10240x16xf32, #tpu.memory_space<vmem_shared>>) target(%arg14 : memref<512x16xf32, #tpu.memory_space<vmem>>) offsets(%dma_start3A_109 : memref<512xi32, #tpu.memory_space<vmem>>) semaphore(%run_scoped3A_107 : memref<!tpu.dma_semaphore, #tpu.memory_space<semaphore_mem>>)
        %dma_wait3A = arith.constant 0 : i32
        %dma_wait3A_113 = tpu.memref_slice %arg9[%run_scoped3A, %dma_wait3A] : memref<2x512xi32, #tpu.memory_space<vmem>> -> memref<1x512xi32, #tpu.memory_space<vmem>>
        %dma_wait3A_114 = tpu.memref_squeeze %dma_wait3A_113 : memref<1x512xi32, #tpu.memory_space<vmem>> -> memref<512xi32, #tpu.memory_space<vmem>>
        %dma_wait3A_115 = arith.constant 0 : i32
        %dma_wait3A_116 = arith.constant 0 : i32
        %dma_wait3A_117 = tpu.memref_slice %arg17[%dma_wait3A_115, %dma_wait3A_116] : memref<10240x16xf32, #tpu.memory_space<vmem_shared>> -> memref<10240x16xf32, #tpu.memory_space<vmem_shared>>
        tpu.wait_indirect_dma semaphore(%run_scoped3A_107 : memref<!tpu.dma_semaphore, #tpu.memory_space<semaphore_mem>>) src(%dma_wait3A_117 : memref<10240x16xf32, #tpu.memory_space<vmem_shared>>) dst(%arg14 : memref<512x16xf32, #tpu.memory_space<vmem>>)
        tpu.yield
      }) : () -> ()
      %parallel_loop3A_91 = arith.constant 0 : i32
      %parallel_loop3A_92 = arith.constant 512 : i32
      %parallel_loop3A_93 = arith.constant 1 : i32
      scf.for %parallel_loop3A_107 = %parallel_loop3A_91 to %parallel_loop3A_92 step %parallel_loop3A_93  : i32 {
        %parallel_loop3A_108 = arith.index_cast %parallel_loop3A_107 : i32 to index
        %parallel_loop3A_109 = arith.constant 0 : index
        %parallel_loop3A_110 = tpu.vector_load %arg12[%parallel_loop3A_108, %parallel_loop3A_109] {strides = array<i32>} : memref<512x16xf32, #tpu.memory_space<vmem>>, vector<16xf32>,
        %parallel_loop3A_111 = arith.index_cast %parallel_loop3A_107 : i32 to index
        %parallel_loop3A_112 = arith.constant 0 : index
        %parallel_loop3A_113 = tpu.vector_load %arg14[%parallel_loop3A_111, %parallel_loop3A_112] {strides = array<i32>} : memref<512x16xf32, #tpu.memory_space<vmem>>, vector<16xf32>,
        %parallel_loop3A_114 = arith.constant 1.000000e-16 : f32
        %parallel_loop3A_115 = vector.broadcast %parallel_loop3A_114 : f32 to vector<16xf32>
        %parallel_loop3A_116 = arith.addf %parallel_loop3A_113, %parallel_loop3A_115 : vector<16xf32>
        %parallel_loop3A_117 = arith.divf %parallel_loop3A_110, %parallel_loop3A_116 : vector<16xf32>
        %parallel_loop3A_118 = arith.index_cast %parallel_loop3A_107 : i32 to index
        %parallel_loop3A_119 = arith.constant 0 : index
        %parallel_loop3A_120 = tpu.vector_load %arg12[%parallel_loop3A_118, %parallel_loop3A_119] {strides = array<i32>} : memref<512x16xf32, #tpu.memory_space<vmem>>, vector<16xf32>,
        tpu.vector_store %arg12[%parallel_loop3A_118, %parallel_loop3A_119], %parallel_loop3A_117 {strides = array<i32>} : memref<512x16xf32, #tpu.memory_space<vmem>>, vector<16xf32>,
      } {sc.loop_unroll_factor = 4 : i64, sc.parallel_access}
      "tpu.region"() ({
        %run_scoped3A_107 = tpu.sem_alloc : memref<!tpu.dma_semaphore, #tpu.memory_space<semaphore_mem>>
        %dma_start3A = arith.constant 0 : i32
        %dma_start3A_108 = arith.constant 0 : i32
        %dma_start3A_109 = tpu.memref_slice %arg8[%add3A_90, %dma_start3A, %dma_start3A_108] : memref<1280x512x16xf32, #tpu.memory_space<hbm>> -> memref<1x512x16xf32, #tpu.memory_space<hbm>>
        %dma_start3A_110 = tpu.memref_squeeze %dma_start3A_109 : memref<1x512x16xf32, #tpu.memory_space<hbm>> -> memref<512x16xf32, #tpu.memory_space<hbm>>
        %dma_start3A_111 = arith.constant 0 : i32
        %dma_start3A_112 = arith.constant 0 : i32
        %dma_start3A_113 = tpu.memref_slice %arg8[%add3A_90, %dma_start3A_111, %dma_start3A_112] : memref<1280x512x16xf32, #tpu.memory_space<hbm>> -> memref<1x512x16xf32, #tpu.memory_space<hbm>>
        %dma_start3A_114 = tpu.memref_squeeze %dma_start3A_113 : memref<1x512x16xf32, #tpu.memory_space<hbm>> -> memref<512x16xf32, #tpu.memory_space<hbm>>
        tpu.enqueue_dma source(%arg12 : memref<512x16xf32, #tpu.memory_space<vmem>>) target(%dma_start3A_114 : memref<512x16xf32, #tpu.memory_space<hbm>>) target_semaphore(%run_scoped3A_107 : memref<!tpu.dma_semaphore, #tpu.memory_space<semaphore_mem>>)
        %dma_wait3A = arith.constant 0 : i32
        %dma_wait3A_115 = arith.constant 0 : i32
        %dma_wait3A_116 = tpu.memref_slice %arg8[%add3A_90, %dma_wait3A, %dma_wait3A_115] : memref<1280x512x16xf32, #tpu.memory_space<hbm>> -> memref<1x512x16xf32, #tpu.memory_space<hbm>>
        %dma_wait3A_117 = tpu.memref_squeeze %dma_wait3A_116 : memref<1x512x16xf32, #tpu.memory_space<hbm>> -> memref<512x16xf32, #tpu.memory_space<hbm>>
        %dma_wait3A_118 = arith.constant 0 : i32
        %dma_wait3A_119 = arith.constant 0 : i32
        %dma_wait3A_120 = tpu.memref_slice %arg8[%add3A_90, %dma_wait3A_118, %dma_wait3A_119] : memref<1280x512x16xf32, #tpu.memory_space<hbm>> -> memref<1x512x16xf32, #tpu.memory_space<hbm>>
        %dma_wait3A_121 = tpu.memref_squeeze %dma_wait3A_120 : memref<1x512x16xf32, #tpu.memory_space<hbm>> -> memref<512x16xf32, #tpu.memory_space<hbm>>
        tpu.wait_dma2 semaphore(%run_scoped3A_107 : memref<!tpu.dma_semaphore, #tpu.memory_space<semaphore_mem>>) src(%arg12 : memref<512x16xf32, #tpu.memory_space<vmem>>) dst(%dma_wait3A_121 : memref<512x16xf32, #tpu.memory_space<hbm>>)
        tpu.yield
      }) : () -> ()
      %mul3A_94 = arith.constant 2 : i32
      %mul3A_95 = arith.muli %arg0, %mul3A_94 : i32
      %add3A_96 = arith.constant 0 : i32
      %add3A_97 = arith.addi %mul3A_95, %add3A_96 : i32
      %mul3A_98 = arith.constant 10240 : i32
      %mul3A_99 = arith.muli %add3A_97, %mul3A_98 : i32
      %parallel_loop3A_100 = arith.constant 0 : i32
      %parallel_loop3A_101 = arith.constant 32 : i32
      %parallel_loop3A_102 = arith.constant 1 : i32
      scf.for %parallel_loop3A_107 = %parallel_loop3A_100 to %parallel_loop3A_101 step %parallel_loop3A_102  : i32 {
        %parallel_loop3A_108 = arith.constant 16 : i32
        %parallel_loop3A_109 = arith.muli %parallel_loop3A_107, %parallel_loop3A_108 : i32
        %parallel_loop3A_110 = arith.constant 1 : i32
        %parallel_loop3A_111 = arith.index_cast %parallel_loop3A_110 : i32 to index
        %parallel_loop3A_112 = arith.index_cast %parallel_loop3A_109 : i32 to index
        %parallel_loop3A_113 = tpu.vector_load %arg9[%parallel_loop3A_111, %parallel_loop3A_112] {strides = array<i32>} : memref<2x512xi32, #tpu.memory_space<vmem>>, vector<16xi32>,
        %parallel_loop3A_114 = vector.broadcast %mul3A_99 : i32 to vector<16xi32>
        %parallel_loop3A_115 = arith.addi %parallel_loop3A_113, %parallel_loop3A_114 : vector<16xi32>
        %parallel_loop3A_116 = arith.index_cast %parallel_loop3A_109 : i32 to index
        %parallel_loop3A_117 = tpu.vector_load %arg16[%parallel_loop3A_116] {strides = array<i32>} : memref<512xi32, #tpu.memory_space<vmem>>, vector<16xi32>,
        tpu.vector_store %arg16[%parallel_loop3A_116], %parallel_loop3A_115 {strides = array<i32>} : memref<512xi32, #tpu.memory_space<vmem>>, vector<16xi32>,
      } {sc.loop_unroll_factor = 4 : i64, sc.parallel_access}
      "tpu.region"() ({
        %run_scoped3A_107 = tpu.sem_alloc : memref<!tpu.dma_semaphore, #tpu.memory_space<semaphore_mem>>
        %dma_start3A = arith.constant 0 : i32
        %dma_start3A_108 = arith.constant 0 : i32
        %dma_start3A_109 = tpu.memref_slice %arg5[%dma_start3A, %dma_start3A_108] : memref<40960x64xf32, #tpu.memory_space<hbm>> -> memref<40960x64xf32, #tpu.memory_space<hbm>>
        tpu.enqueue_indirect_dma source(%dma_start3A_109 : memref<40960x64xf32, #tpu.memory_space<hbm>>) target(%arg15 : memref<512x64xf32, #tpu.memory_space<vmem>>) offsets(%arg16 : memref<512xi32, #tpu.memory_space<vmem>>) semaphore(%run_scoped3A_107 : memref<!tpu.dma_semaphore, #tpu.memory_space<semaphore_mem>>)
        %dma_wait3A = arith.constant 0 : i32
        %dma_wait3A_110 = arith.constant 0 : i32
        %dma_wait3A_111 = tpu.memref_slice %arg5[%dma_wait3A, %dma_wait3A_110] : memref<40960x64xf32, #tpu.memory_space<hbm>> -> memref<40960x64xf32, #tpu.memory_space<hbm>>
        tpu.wait_indirect_dma semaphore(%run_scoped3A_107 : memref<!tpu.dma_semaphore, #tpu.memory_space<semaphore_mem>>) src(%dma_wait3A_111 : memref<40960x64xf32, #tpu.memory_space<hbm>>) dst(%arg15 : memref<512x64xf32, #tpu.memory_space<vmem>>)
        tpu.yield
      }) : () -> ()
      %parallel_loop3A_103 = arith.constant 0 : i32
      %parallel_loop3A_104 = arith.constant 512 : i32
      %parallel_loop3A_105 = arith.constant 1 : i32
      scf.for %parallel_loop3A_107 = %parallel_loop3A_103 to %parallel_loop3A_104 step %parallel_loop3A_105  : i32 {
        %parallel_loop3A_108 = vector.broadcast %parallel_loop3A_107 : i32 to vector<16xi32>
        %parallel_loop3A_109 = arith.constant 4 : i32
        %parallel_loop3A_110 = vector.broadcast %parallel_loop3A_109 : i32 to vector<16xi32>
        %parallel_loop3A_111 = tpu.vector_load_idx %arg12[%parallel_loop3A_108, %parallel_loop3A_110] : memref<512x16xf32, #tpu.memory_space<vmem>>[vector<16xi32>, vector<16xi32>], vector<16xf32>,
        %parallel_loop3A_112 = arith.index_cast %parallel_loop3A_107 : i32 to index
        %parallel_loop3A_113 = arith.constant 0 : index
        %parallel_loop3A_114 = tpu.vector_load %arg15[%parallel_loop3A_112, %parallel_loop3A_113] {strides = array<i32>} : memref<512x64xf32, #tpu.memory_space<vmem>>, vector<16xf32>,
        %parallel_loop3A_115 = arith.mulf %parallel_loop3A_114, %parallel_loop3A_111 : vector<16xf32>
        %parallel_loop3A_116 = arith.index_cast %parallel_loop3A_107 : i32 to index
        %parallel_loop3A_117 = arith.constant 0 : index
        %parallel_loop3A_118 = tpu.vector_load %arg15[%parallel_loop3A_116, %parallel_loop3A_117] {strides = array<i32>} : memref<512x64xf32, #tpu.memory_space<vmem>>, vector<16xf32>,
        tpu.vector_store %arg15[%parallel_loop3A_116, %parallel_loop3A_117], %parallel_loop3A_115 {strides = array<i32>} : memref<512x64xf32, #tpu.memory_space<vmem>>, vector<16xf32>,
        %parallel_loop3A_119 = arith.index_cast %parallel_loop3A_107 : i32 to index
        %parallel_loop3A_120 = arith.constant 16 : index
        %parallel_loop3A_121 = tpu.vector_load %arg15[%parallel_loop3A_119, %parallel_loop3A_120] {strides = array<i32>} : memref<512x64xf32, #tpu.memory_space<vmem>>, vector<16xf32>,
        %parallel_loop3A_122 = arith.mulf %parallel_loop3A_121, %parallel_loop3A_111 : vector<16xf32>
        %parallel_loop3A_123 = arith.index_cast %parallel_loop3A_107 : i32 to index
        %parallel_loop3A_124 = arith.constant 16 : index
        %parallel_loop3A_125 = tpu.vector_load %arg15[%parallel_loop3A_123, %parallel_loop3A_124] {strides = array<i32>} : memref<512x64xf32, #tpu.memory_space<vmem>>, vector<16xf32>,
        tpu.vector_store %arg15[%parallel_loop3A_123, %parallel_loop3A_124], %parallel_loop3A_122 {strides = array<i32>} : memref<512x64xf32, #tpu.memory_space<vmem>>, vector<16xf32>,
        %parallel_loop3A_126 = vector.broadcast %parallel_loop3A_107 : i32 to vector<16xi32>
        %parallel_loop3A_127 = arith.constant 5 : i32
        %parallel_loop3A_128 = vector.broadcast %parallel_loop3A_127 : i32 to vector<16xi32>
        %parallel_loop3A_129 = tpu.vector_load_idx %arg12[%parallel_loop3A_126, %parallel_loop3A_128] : memref<512x16xf32, #tpu.memory_space<vmem>>[vector<16xi32>, vector<16xi32>], vector<16xf32>,
        %parallel_loop3A_130 = arith.index_cast %parallel_loop3A_107 : i32 to index
        %parallel_loop3A_131 = arith.constant 32 : index
        %parallel_loop3A_132 = tpu.vector_load %arg15[%parallel_loop3A_130, %parallel_loop3A_131] {strides = array<i32>} : memref<512x64xf32, #tpu.memory_space<vmem>>, vector<16xf32>,
        %parallel_loop3A_133 = arith.mulf %parallel_loop3A_132, %parallel_loop3A_129 : vector<16xf32>
        %parallel_loop3A_134 = arith.index_cast %parallel_loop3A_107 : i32 to index
        %parallel_loop3A_135 = arith.constant 32 : index
        %parallel_loop3A_136 = tpu.vector_load %arg15[%parallel_loop3A_134, %parallel_loop3A_135] {strides = array<i32>} : memref<512x64xf32, #tpu.memory_space<vmem>>, vector<16xf32>,
        tpu.vector_store %arg15[%parallel_loop3A_134, %parallel_loop3A_135], %parallel_loop3A_133 {strides = array<i32>} : memref<512x64xf32, #tpu.memory_space<vmem>>, vector<16xf32>,
        %parallel_loop3A_137 = arith.index_cast %parallel_loop3A_107 : i32 to index
        %parallel_loop3A_138 = arith.constant 48 : index
        %parallel_loop3A_139 = tpu.vector_load %arg15[%parallel_loop3A_137, %parallel_loop3A_138] {strides = array<i32>} : memref<512x64xf32, #tpu.memory_space<vmem>>, vector<16xf32>,
        %parallel_loop3A_140 = arith.mulf %parallel_loop3A_139, %parallel_loop3A_129 : vector<16xf32>
        %parallel_loop3A_141 = arith.index_cast %parallel_loop3A_107 : i32 to index
        %parallel_loop3A_142 = arith.constant 48 : index
        %parallel_loop3A_143 = tpu.vector_load %arg15[%parallel_loop3A_141, %parallel_loop3A_142] {strides = array<i32>} : memref<512x64xf32, #tpu.memory_space<vmem>>, vector<16xf32>,
        tpu.vector_store %arg15[%parallel_loop3A_141, %parallel_loop3A_142], %parallel_loop3A_140 {strides = array<i32>} : memref<512x64xf32, #tpu.memory_space<vmem>>, vector<16xf32>,
      } {sc.loop_unroll_factor = 2 : i64, sc.parallel_access}
      %run_scoped3A_106 = arith.constant 0 : i32
      "tpu.region"() ({
        %run_scoped3A_107 = tpu.sem_alloc : memref<!tpu.dma_semaphore, #tpu.memory_space<semaphore_mem>>
        %dma_start3A = arith.constant 0 : i32
        %dma_start3A_108 = tpu.memref_slice %arg9[%run_scoped3A_106, %dma_start3A] : memref<2x512xi32, #tpu.memory_space<vmem>> -> memref<1x512xi32, #tpu.memory_space<vmem>>
        %dma_start3A_109 = tpu.memref_squeeze %dma_start3A_108 : memref<1x512xi32, #tpu.memory_space<vmem>> -> memref<512xi32, #tpu.memory_space<vmem>>
        %dma_start3A_110 = arith.constant 0 : i32
        %dma_start3A_111 = arith.constant 0 : i32
        %dma_start3A_112 = tpu.memref_slice %arg18[%dma_start3A_110, %dma_start3A_111] : memref<10240x64xf32, #tpu.memory_space<vmem_shared>> -> memref<10240x64xf32, #tpu.memory_space<vmem_shared>>
        tpu.enqueue_indirect_dma source(%arg15 : memref<512x64xf32, #tpu.memory_space<vmem>>) target(%dma_start3A_112 : memref<10240x64xf32, #tpu.memory_space<vmem_shared>>) offsets(%dma_start3A_109 : memref<512xi32, #tpu.memory_space<vmem>>) semaphore(%run_scoped3A_107 : memref<!tpu.dma_semaphore, #tpu.memory_space<semaphore_mem>>) {add = true}
        %dma_wait3A = arith.constant 0 : i32
        %dma_wait3A_113 = tpu.memref_slice %arg9[%run_scoped3A_106, %dma_wait3A] : memref<2x512xi32, #tpu.memory_space<vmem>> -> memref<1x512xi32, #tpu.memory_space<vmem>>
        %dma_wait3A_114 = tpu.memref_squeeze %dma_wait3A_113 : memref<1x512xi32, #tpu.memory_space<vmem>> -> memref<512xi32, #tpu.memory_space<vmem>>
        %dma_wait3A_115 = arith.constant 0 : i32
        %dma_wait3A_116 = arith.constant 0 : i32
        %dma_wait3A_117 = tpu.memref_slice %arg18[%dma_wait3A_115, %dma_wait3A_116] : memref<10240x64xf32, #tpu.memory_space<vmem_shared>> -> memref<10240x64xf32, #tpu.memory_space<vmem_shared>>
        tpu.wait_indirect_dma semaphore(%run_scoped3A_107 : memref<!tpu.dma_semaphore, #tpu.memory_space<semaphore_mem>>) src(%arg15 : memref<512x64xf32, #tpu.memory_space<vmem>>) dst(%dma_wait3A_117 : memref<10240x64xf32, #tpu.memory_space<vmem_shared>>)
        tpu.yield
      }) : () -> ()
    }
    %scan3A_39 = arith.constant 40 : i32
    %barrier3A_40 = arith.constant 0 : index
    tpu.barrier barrier_id(%barrier3A_40)
    %mul3A_41 = arith.constant 640 : i32
    %mul3A_42 = arith.muli %arg1, %mul3A_41 : i32
    %mul3A_43 = arith.constant 2 : i32
    %mul3A_44 = arith.muli %arg0, %mul3A_43 : i32
    %add3A_45 = arith.constant 0 : i32
    %add3A_46 = arith.addi %mul3A_44, %add3A_45 : i32
    %mul3A_47 = arith.constant 10240 : i32
    %mul3A_48 = arith.muli %add3A_46, %mul3A_47 : i32
    %mul3A_49 = arith.constant 640 : i32
    %mul3A_50 = arith.muli %arg1, %mul3A_49 : i32
    %add3A_51 = arith.addi %mul3A_48, %mul3A_50 : i32
    "tpu.region"() ({
      %run_scoped3A = tpu.sem_alloc : memref<!tpu.dma_semaphore, #tpu.memory_space<semaphore_mem>>
      %dma_start3A = arith.constant 0 : i32
      %dma_start3A_80 = tpu.memref_slice %arg6[%add3A_51, %dma_start3A] : memref<40960x64xf32, #tpu.memory_space<hbm>> -> memref<640x64xf32, #tpu.memory_space<hbm>>
      %dma_start3A_81 = arith.constant 0 : i32
      %dma_start3A_82 = tpu.memref_slice %arg18[%mul3A_42, %dma_start3A_81] : memref<10240x64xf32, #tpu.memory_space<vmem_shared>> -> memref<640x64xf32, #tpu.memory_space<vmem_shared>>
      tpu.enqueue_dma source(%dma_start3A_82 : memref<640x64xf32, #tpu.memory_space<vmem_shared>>) target(%dma_start3A_80 : memref<640x64xf32, #tpu.memory_space<hbm>>) target_semaphore(%run_scoped3A : memref<!tpu.dma_semaphore, #tpu.memory_space<semaphore_mem>>)
      %dma_wait3A = arith.constant 0 : i32
      %dma_wait3A_83 = tpu.memref_slice %arg6[%add3A_51, %dma_wait3A] : memref<40960x64xf32, #tpu.memory_space<hbm>> -> memref<640x64xf32, #tpu.memory_space<hbm>>
      %dma_wait3A_84 = arith.constant 0 : i32
      %dma_wait3A_85 = tpu.memref_slice %arg18[%mul3A_42, %dma_wait3A_84] : memref<10240x64xf32, #tpu.memory_space<vmem_shared>> -> memref<640x64xf32, #tpu.memory_space<vmem_shared>>
      tpu.wait_dma2 semaphore(%run_scoped3A : memref<!tpu.dma_semaphore, #tpu.memory_space<semaphore_mem>>) src(%dma_wait3A_85 : memref<640x64xf32, #tpu.memory_space<vmem_shared>>) dst(%dma_wait3A_83 : memref<640x64xf32, #tpu.memory_space<hbm>>)
      tpu.yield
    }) : () -> ()
    %barrier3A_52 = arith.constant 0 : index
    tpu.barrier barrier_id(%barrier3A_52)
    %parallel_loop3A_53 = arith.constant 0 : i32
    %parallel_loop3A_54 = arith.constant 512 : i32
    %parallel_loop3A_55 = arith.constant 1 : i32
    scf.for %parallel_loop3A_80 = %parallel_loop3A_53 to %parallel_loop3A_54 step %parallel_loop3A_55  : i32 {
      %parallel_loop3A_81 = arith.index_cast %parallel_loop3A_80 : i32 to index
      %parallel_loop3A_82 = arith.constant 0 : index
      %parallel_loop3A_83 = tpu.vector_load %arg15[%parallel_loop3A_81, %parallel_loop3A_82] {strides = array<i32>} : memref<512x64xf32, #tpu.memory_space<vmem>>, vector<16xf32>,
      tpu.vector_store %arg15[%parallel_loop3A_81, %parallel_loop3A_82], %broadcast_in_dim3A_0 {strides = array<i32>} : memref<512x64xf32, #tpu.memory_space<vmem>>, vector<16xf32>,
      %parallel_loop3A_84 = arith.index_cast %parallel_loop3A_80 : i32 to index
      %parallel_loop3A_85 = arith.constant 16 : index
      %parallel_loop3A_86 = tpu.vector_load %arg15[%parallel_loop3A_84, %parallel_loop3A_85] {strides = array<i32>} : memref<512x64xf32, #tpu.memory_space<vmem>>, vector<16xf32>,
      tpu.vector_store %arg15[%parallel_loop3A_84, %parallel_loop3A_85], %broadcast_in_dim3A_0 {strides = array<i32>} : memref<512x64xf32, #tpu.memory_space<vmem>>, vector<16xf32>,
      %parallel_loop3A_87 = arith.index_cast %parallel_loop3A_80 : i32 to index
      %parallel_loop3A_88 = arith.constant 32 : index
      %parallel_loop3A_89 = tpu.vector_load %arg15[%parallel_loop3A_87, %parallel_loop3A_88] {strides = array<i32>} : memref<512x64xf32, #tpu.memory_space<vmem>>, vector<16xf32>,
      tpu.vector_store %arg15[%parallel_loop3A_87, %parallel_loop3A_88], %broadcast_in_dim3A_0 {strides = array<i32>} : memref<512x64xf32, #tpu.memory_space<vmem>>, vector<16xf32>,
      %parallel_loop3A_90 = arith.index_cast %parallel_loop3A_80 : i32 to index
      %parallel_loop3A_91 = arith.constant 48 : index
      %parallel_loop3A_92 = tpu.vector_load %arg15[%parallel_loop3A_90, %parallel_loop3A_91] {strides = array<i32>} : memref<512x64xf32, #tpu.memory_space<vmem>>, vector<16xf32>,
      tpu.vector_store %arg15[%parallel_loop3A_90, %parallel_loop3A_91], %broadcast_in_dim3A_0 {strides = array<i32>} : memref<512x64xf32, #tpu.memory_space<vmem>>, vector<16xf32>,
    } {sc.loop_unroll_factor = 4 : i64, sc.parallel_access}
    %mul3A_56 = arith.constant 640 : i32
    %mul3A_57 = arith.muli %arg1, %mul3A_56 : i32
    "tpu.region"() ({
      %run_scoped3A = tpu.sem_alloc : memref<!tpu.dma_semaphore, #tpu.memory_space<semaphore_mem>>
      %dma_start3A = arith.constant 0 : i32
      %dma_start3A_80 = tpu.memref_slice %arg18[%mul3A_57, %dma_start3A] : memref<10240x64xf32, #tpu.memory_space<vmem_shared>> -> memref<512x64xf32, #tpu.memory_space<vmem_shared>>
      %dma_start3A_81 = arith.constant 0 : i32
      %dma_start3A_82 = tpu.memref_slice %arg18[%mul3A_57, %dma_start3A_81] : memref<10240x64xf32, #tpu.memory_space<vmem_shared>> -> memref<512x64xf32, #tpu.memory_space<vmem_shared>>
      tpu.enqueue_dma source(%arg15 : memref<512x64xf32, #tpu.memory_space<vmem>>) target(%dma_start3A_82 : memref<512x64xf32, #tpu.memory_space<vmem_shared>>) target_semaphore(%run_scoped3A : memref<!tpu.dma_semaphore, #tpu.memory_space<semaphore_mem>>)
      %dma_wait3A = arith.constant 0 : i32
      %dma_wait3A_83 = tpu.memref_slice %arg18[%mul3A_57, %dma_wait3A] : memref<10240x64xf32, #tpu.memory_space<vmem_shared>> -> memref<512x64xf32, #tpu.memory_space<vmem_shared>>
      %dma_wait3A_84 = arith.constant 0 : i32
      %dma_wait3A_85 = tpu.memref_slice %arg18[%mul3A_57, %dma_wait3A_84] : memref<10240x64xf32, #tpu.memory_space<vmem_shared>> -> memref<512x64xf32, #tpu.memory_space<vmem_shared>>
      tpu.wait_dma2 semaphore(%run_scoped3A : memref<!tpu.dma_semaphore, #tpu.memory_space<semaphore_mem>>) src(%arg15 : memref<512x64xf32, #tpu.memory_space<vmem>>) dst(%dma_wait3A_85 : memref<512x64xf32, #tpu.memory_space<vmem_shared>>)
      tpu.yield
    }) : () -> ()
    %mul3A_58 = arith.constant 640 : i32
    %mul3A_59 = arith.muli %arg1, %mul3A_58 : i32
    %add3A_60 = arith.constant 512 : i32
    %add3A_61 = arith.addi %mul3A_59, %add3A_60 : i32
    "tpu.region"() ({
      %run_scoped3A = tpu.sem_alloc : memref<!tpu.dma_semaphore, #tpu.memory_space<semaphore_mem>>
      %dma_start3A = arith.constant 0 : i32
      %dma_start3A_80 = arith.constant 0 : i32
      %dma_start3A_81 = tpu.memref_slice %arg15[%dma_start3A, %dma_start3A_80] : memref<512x64xf32, #tpu.memory_space<vmem>> -> memref<128x64xf32, #tpu.memory_space<vmem>>
      %dma_start3A_82 = arith.constant 0 : i32
      %dma_start3A_83 = tpu.memref_slice %arg18[%add3A_61, %dma_start3A_82] : memref<10240x64xf32, #tpu.memory_space<vmem_shared>> -> memref<128x64xf32, #tpu.memory_space<vmem_shared>>
      %dma_start3A_84 = arith.constant 0 : i32
      %dma_start3A_85 = tpu.memref_slice %arg18[%add3A_61, %dma_start3A_84] : memref<10240x64xf32, #tpu.memory_space<vmem_shared>> -> memref<128x64xf32, #tpu.memory_space<vmem_shared>>
      %dma_start3A_86 = arith.constant 0 : i32
      %dma_start3A_87 = arith.constant 0 : i32
      %dma_start3A_88 = tpu.memref_slice %arg15[%dma_start3A_86, %dma_start3A_87] : memref<512x64xf32, #tpu.memory_space<vmem>> -> memref<128x64xf32, #tpu.memory_space<vmem>>
      tpu.enqueue_dma source(%dma_start3A_88 : memref<128x64xf32, #tpu.memory_space<vmem>>) target(%dma_start3A_85 : memref<128x64xf32, #tpu.memory_space<vmem_shared>>) target_semaphore(%run_scoped3A : memref<!tpu.dma_semaphore, #tpu.memory_space<semaphore_mem>>)
      %dma_wait3A = arith.constant 0 : i32
      %dma_wait3A_89 = arith.constant 0 : i32
      %dma_wait3A_90 = tpu.memref_slice %arg15[%dma_wait3A, %dma_wait3A_89] : memref<512x64xf32, #tpu.memory_space<vmem>> -> memref<128x64xf32, #tpu.memory_space<vmem>>
      %dma_wait3A_91 = arith.constant 0 : i32
      %dma_wait3A_92 = tpu.memref_slice %arg18[%add3A_61, %dma_wait3A_91] : memref<10240x64xf32, #tpu.memory_space<vmem_shared>> -> memref<128x64xf32, #tpu.memory_space<vmem_shared>>
      %dma_wait3A_93 = arith.constant 0 : i32
      %dma_wait3A_94 = tpu.memref_slice %arg18[%add3A_61, %dma_wait3A_93] : memref<10240x64xf32, #tpu.memory_space<vmem_shared>> -> memref<128x64xf32, #tpu.memory_space<vmem_shared>>
      %dma_wait3A_95 = arith.constant 0 : i32
      %dma_wait3A_96 = arith.constant 0 : i32
      %dma_wait3A_97 = tpu.memref_slice %arg15[%dma_wait3A_95, %dma_wait3A_96] : memref<512x64xf32, #tpu.memory_space<vmem>> -> memref<128x64xf32, #tpu.memory_space<vmem>>
      tpu.wait_dma2 semaphore(%run_scoped3A : memref<!tpu.dma_semaphore, #tpu.memory_space<semaphore_mem>>) src(%dma_wait3A_97 : memref<128x64xf32, #tpu.memory_space<vmem>>) dst(%dma_wait3A_94 : memref<128x64xf32, #tpu.memory_space<vmem_shared>>)
      tpu.yield
    }) : () -> ()
    %barrier3A_62 = arith.constant 0 : index
    tpu.barrier barrier_id(%barrier3A_62)
    %scan3A_63 = arith.constant 0 : i32
    %scan3A_64 = arith.constant 40 : i32
    %scan3A_65 = arith.addi %scan3A_63, %scan3A_64 : i32
    %scan3A_66 = arith.constant 1 : i32
    scf.for %scan3A_80 = %scan3A_63 to %scan3A_65 step %scan3A_66  : i32 {
      %mul3A_81 = arith.constant 1 : i32
      %mul3A_82 = arith.muli %scan3A_80, %mul3A_81 : i32
      %add3A_83 = arith.constant 0 : i32
      %add3A_84 = arith.addi %add3A_83, %mul3A_82 : i32
      %mul3A_85 = arith.constant 40 : i32
      %mul3A_86 = arith.muli %arg1, %mul3A_85 : i32
      %add3A_87 = arith.addi %mul3A_86, %add3A_84 : i32
      %mul3A_88 = arith.constant 640 : i32
      %mul3A_89 = arith.muli %arg0, %mul3A_88 : i32
      %add3A_90 = arith.addi %mul3A_89, %add3A_87 : i32
      "tpu.region"() ({
        %run_scoped3A_103 = tpu.sem_alloc : memref<!tpu.dma_semaphore, #tpu.memory_space<semaphore_mem>>
        %dma_start3A = arith.constant 0 : i32
        %dma_start3A_104 = arith.constant 0 : i32
        %dma_start3A_105 = tpu.memref_slice %arg2[%add3A_87, %dma_start3A, %dma_start3A_104] : memref<640x2x512xi32, #tpu.memory_space<hbm>> -> memref<1x2x512xi32, #tpu.memory_space<hbm>>
        %dma_start3A_106 = tpu.memref_squeeze %dma_start3A_105 : memref<1x2x512xi32, #tpu.memory_space<hbm>> -> memref<2x512xi32, #tpu.memory_space<hbm>>
        %dma_start3A_107 = arith.constant 0 : i32
        %dma_start3A_108 = arith.constant 0 : i32
        %dma_start3A_109 = tpu.memref_slice %arg2[%add3A_87, %dma_start3A_107, %dma_start3A_108] : memref<640x2x512xi32, #tpu.memory_space<hbm>> -> memref<1x2x512xi32, #tpu.memory_space<hbm>>
        %dma_start3A_110 = tpu.memref_squeeze %dma_start3A_109 : memref<1x2x512xi32, #tpu.memory_space<hbm>> -> memref<2x512xi32, #tpu.memory_space<hbm>>
        tpu.enqueue_dma source(%dma_start3A_110 : memref<2x512xi32, #tpu.memory_space<hbm>>) target(%arg9 : memref<2x512xi32, #tpu.memory_space<vmem>>) target_semaphore(%run_scoped3A_103 : memref<!tpu.dma_semaphore, #tpu.memory_space<semaphore_mem>>)
        %dma_wait3A = arith.constant 0 : i32
        %dma_wait3A_111 = arith.constant 0 : i32
        %dma_wait3A_112 = tpu.memref_slice %arg2[%add3A_87, %dma_wait3A, %dma_wait3A_111] : memref<640x2x512xi32, #tpu.memory_space<hbm>> -> memref<1x2x512xi32, #tpu.memory_space<hbm>>
        %dma_wait3A_113 = tpu.memref_squeeze %dma_wait3A_112 : memref<1x2x512xi32, #tpu.memory_space<hbm>> -> memref<2x512xi32, #tpu.memory_space<hbm>>
        %dma_wait3A_114 = arith.constant 0 : i32
        %dma_wait3A_115 = arith.constant 0 : i32
        %dma_wait3A_116 = tpu.memref_slice %arg2[%add3A_87, %dma_wait3A_114, %dma_wait3A_115] : memref<640x2x512xi32, #tpu.memory_space<hbm>> -> memref<1x2x512xi32, #tpu.memory_space<hbm>>
        %dma_wait3A_117 = tpu.memref_squeeze %dma_wait3A_116 : memref<1x2x512xi32, #tpu.memory_space<hbm>> -> memref<2x512xi32, #tpu.memory_space<hbm>>
        tpu.wait_dma2 semaphore(%run_scoped3A_103 : memref<!tpu.dma_semaphore, #tpu.memory_space<semaphore_mem>>) src(%dma_wait3A_117 : memref<2x512xi32, #tpu.memory_space<hbm>>) dst(%arg9 : memref<2x512xi32, #tpu.memory_space<vmem>>)
        tpu.yield
      }) : () -> ()
      "tpu.region"() ({
        %run_scoped3A_103 = tpu.sem_alloc : memref<!tpu.dma_semaphore, #tpu.memory_space<semaphore_mem>>
        %dma_start3A = arith.constant 0 : i32
        %dma_start3A_104 = arith.constant 0 : i32
        %dma_start3A_105 = tpu.memref_slice %arg8[%add3A_90, %dma_start3A, %dma_start3A_104] : memref<1280x512x16xf32, #tpu.memory_space<hbm>> -> memref<1x512x16xf32, #tpu.memory_space<hbm>>
        %dma_start3A_106 = tpu.memref_squeeze %dma_start3A_105 : memref<1x512x16xf32, #tpu.memory_space<hbm>> -> memref<512x16xf32, #tpu.memory_space<hbm>>
        %dma_start3A_107 = arith.constant 0 : i32
        %dma_start3A_108 = arith.constant 0 : i32
        %dma_start3A_109 = tpu.memref_slice %arg8[%add3A_90, %dma_start3A_107, %dma_start3A_108] : memref<1280x512x16xf32, #tpu.memory_space<hbm>> -> memref<1x512x16xf32, #tpu.memory_space<hbm>>
        %dma_start3A_110 = tpu.memref_squeeze %dma_start3A_109 : memref<1x512x16xf32, #tpu.memory_space<hbm>> -> memref<512x16xf32, #tpu.memory_space<hbm>>
        tpu.enqueue_dma source(%dma_start3A_110 : memref<512x16xf32, #tpu.memory_space<hbm>>) target(%arg12 : memref<512x16xf32, #tpu.memory_space<vmem>>) target_semaphore(%run_scoped3A_103 : memref<!tpu.dma_semaphore, #tpu.memory_space<semaphore_mem>>)
        %dma_wait3A = arith.constant 0 : i32
        %dma_wait3A_111 = arith.constant 0 : i32
        %dma_wait3A_112 = tpu.memref_slice %arg8[%add3A_90, %dma_wait3A, %dma_wait3A_111] : memref<1280x512x16xf32, #tpu.memory_space<hbm>> -> memref<1x512x16xf32, #tpu.memory_space<hbm>>
        %dma_wait3A_113 = tpu.memref_squeeze %dma_wait3A_112 : memref<1x512x16xf32, #tpu.memory_space<hbm>> -> memref<512x16xf32, #tpu.memory_space<hbm>>
        %dma_wait3A_114 = arith.constant 0 : i32
        %dma_wait3A_115 = arith.constant 0 : i32
        %dma_wait3A_116 = tpu.memref_slice %arg8[%add3A_90, %dma_wait3A_114, %dma_wait3A_115] : memref<1280x512x16xf32, #tpu.memory_space<hbm>> -> memref<1x512x16xf32, #tpu.memory_space<hbm>>
        %dma_wait3A_117 = tpu.memref_squeeze %dma_wait3A_116 : memref<1x512x16xf32, #tpu.memory_space<hbm>> -> memref<512x16xf32, #tpu.memory_space<hbm>>
        tpu.wait_dma2 semaphore(%run_scoped3A_103 : memref<!tpu.dma_semaphore, #tpu.memory_space<semaphore_mem>>) src(%dma_wait3A_117 : memref<512x16xf32, #tpu.memory_space<hbm>>) dst(%arg12 : memref<512x16xf32, #tpu.memory_space<vmem>>)
        tpu.yield
      }) : () -> ()
      %mul3A_91 = arith.constant 2 : i32
      %mul3A_92 = arith.muli %arg0, %mul3A_91 : i32
      %add3A_93 = arith.constant 1 : i32
      %add3A_94 = arith.addi %mul3A_92, %add3A_93 : i32
      %mul3A_95 = arith.constant 10240 : i32
      %mul3A_96 = arith.muli %add3A_94, %mul3A_95 : i32
      %parallel_loop3A_97 = arith.constant 0 : i32
      %parallel_loop3A_98 = arith.constant 32 : i32
      %parallel_loop3A_99 = arith.constant 1 : i32
      scf.for %parallel_loop3A_103 = %parallel_loop3A_97 to %parallel_loop3A_98 step %parallel_loop3A_99  : i32 {
        %parallel_loop3A_104 = arith.constant 16 : i32
        %parallel_loop3A_105 = arith.muli %parallel_loop3A_103, %parallel_loop3A_104 : i32
        %parallel_loop3A_106 = arith.constant 1 : i32
        %parallel_loop3A_107 = arith.index_cast %parallel_loop3A_106 : i32 to index
        %parallel_loop3A_108 = arith.index_cast %parallel_loop3A_105 : i32 to index
        %parallel_loop3A_109 = tpu.vector_load %arg9[%parallel_loop3A_107, %parallel_loop3A_108] {strides = array<i32>} : memref<2x512xi32, #tpu.memory_space<vmem>>, vector<16xi32>,
        %parallel_loop3A_110 = vector.broadcast %mul3A_96 : i32 to vector<16xi32>
        %parallel_loop3A_111 = arith.addi %parallel_loop3A_109, %parallel_loop3A_110 : vector<16xi32>
        %parallel_loop3A_112 = arith.index_cast %parallel_loop3A_105 : i32 to index
        %parallel_loop3A_113 = tpu.vector_load %arg16[%parallel_loop3A_112] {strides = array<i32>} : memref<512xi32, #tpu.memory_space<vmem>>, vector<16xi32>,
        tpu.vector_store %arg16[%parallel_loop3A_112], %parallel_loop3A_111 {strides = array<i32>} : memref<512xi32, #tpu.memory_space<vmem>>, vector<16xi32>,
      } {sc.loop_unroll_factor = 4 : i64, sc.parallel_access}
      "tpu.region"() ({
        %run_scoped3A_103 = tpu.sem_alloc : memref<!tpu.dma_semaphore, #tpu.memory_space<semaphore_mem>>
        %dma_start3A = arith.constant 0 : i32
        %dma_start3A_104 = arith.constant 0 : i32
        %dma_start3A_105 = tpu.memref_slice %arg5[%dma_start3A, %dma_start3A_104] : memref<40960x64xf32, #tpu.memory_space<hbm>> -> memref<40960x64xf32, #tpu.memory_space<hbm>>
        tpu.enqueue_indirect_dma source(%dma_start3A_105 : memref<40960x64xf32, #tpu.memory_space<hbm>>) target(%arg15 : memref<512x64xf32, #tpu.memory_space<vmem>>) offsets(%arg16 : memref<512xi32, #tpu.memory_space<vmem>>) semaphore(%run_scoped3A_103 : memref<!tpu.dma_semaphore, #tpu.memory_space<semaphore_mem>>)
        %dma_wait3A = arith.constant 0 : i32
        %dma_wait3A_106 = arith.constant 0 : i32
        %dma_wait3A_107 = tpu.memref_slice %arg5[%dma_wait3A, %dma_wait3A_106] : memref<40960x64xf32, #tpu.memory_space<hbm>> -> memref<40960x64xf32, #tpu.memory_space<hbm>>
        tpu.wait_indirect_dma semaphore(%run_scoped3A_103 : memref<!tpu.dma_semaphore, #tpu.memory_space<semaphore_mem>>) src(%dma_wait3A_107 : memref<40960x64xf32, #tpu.memory_space<hbm>>) dst(%arg15 : memref<512x64xf32, #tpu.memory_space<vmem>>)
        tpu.yield
      }) : () -> ()
      %parallel_loop3A_100 = arith.constant 0 : i32
      %parallel_loop3A_101 = arith.constant 512 : i32
      %parallel_loop3A_102 = arith.constant 1 : i32
      scf.for %parallel_loop3A_103 = %parallel_loop3A_100 to %parallel_loop3A_101 step %parallel_loop3A_102  : i32 {
        %parallel_loop3A_104 = vector.broadcast %parallel_loop3A_103 : i32 to vector<16xi32>
        %parallel_loop3A_105 = arith.constant 6 : i32
        %parallel_loop3A_106 = vector.broadcast %parallel_loop3A_105 : i32 to vector<16xi32>
        %parallel_loop3A_107 = tpu.vector_load_idx %arg12[%parallel_loop3A_104, %parallel_loop3A_106] : memref<512x16xf32, #tpu.memory_space<vmem>>[vector<16xi32>, vector<16xi32>], vector<16xf32>,
        %parallel_loop3A_108 = arith.index_cast %parallel_loop3A_103 : i32 to index
        %parallel_loop3A_109 = arith.constant 0 : index
        %parallel_loop3A_110 = tpu.vector_load %arg15[%parallel_loop3A_108, %parallel_loop3A_109] {strides = array<i32>} : memref<512x64xf32, #tpu.memory_space<vmem>>, vector<16xf32>,
        %parallel_loop3A_111 = arith.mulf %parallel_loop3A_110, %parallel_loop3A_107 : vector<16xf32>
        %parallel_loop3A_112 = arith.index_cast %parallel_loop3A_103 : i32 to index
        %parallel_loop3A_113 = arith.constant 0 : index
        %parallel_loop3A_114 = tpu.vector_load %arg15[%parallel_loop3A_112, %parallel_loop3A_113] {strides = array<i32>} : memref<512x64xf32, #tpu.memory_space<vmem>>, vector<16xf32>,
        tpu.vector_store %arg15[%parallel_loop3A_112, %parallel_loop3A_113], %parallel_loop3A_111 {strides = array<i32>} : memref<512x64xf32, #tpu.memory_space<vmem>>, vector<16xf32>,
        %parallel_loop3A_115 = arith.index_cast %parallel_loop3A_103 : i32 to index
        %parallel_loop3A_116 = arith.constant 16 : index
        %parallel_loop3A_117 = tpu.vector_load %arg15[%parallel_loop3A_115, %parallel_loop3A_116] {strides = array<i32>} : memref<512x64xf32, #tpu.memory_space<vmem>>, vector<16xf32>,
        %parallel_loop3A_118 = arith.mulf %parallel_loop3A_117, %parallel_loop3A_107 : vector<16xf32>
        %parallel_loop3A_119 = arith.index_cast %parallel_loop3A_103 : i32 to index
        %parallel_loop3A_120 = arith.constant 16 : index
        %parallel_loop3A_121 = tpu.vector_load %arg15[%parallel_loop3A_119, %parallel_loop3A_120] {strides = array<i32>} : memref<512x64xf32, #tpu.memory_space<vmem>>, vector<16xf32>,
        tpu.vector_store %arg15[%parallel_loop3A_119, %parallel_loop3A_120], %parallel_loop3A_118 {strides = array<i32>} : memref<512x64xf32, #tpu.memory_space<vmem>>, vector<16xf32>,
        %parallel_loop3A_122 = vector.broadcast %parallel_loop3A_103 : i32 to vector<16xi32>
        %parallel_loop3A_123 = arith.constant 7 : i32
        %parallel_loop3A_124 = vector.broadcast %parallel_loop3A_123 : i32 to vector<16xi32>
        %parallel_loop3A_125 = tpu.vector_load_idx %arg12[%parallel_loop3A_122, %parallel_loop3A_124] : memref<512x16xf32, #tpu.memory_space<vmem>>[vector<16xi32>, vector<16xi32>], vector<16xf32>,
        %parallel_loop3A_126 = arith.index_cast %parallel_loop3A_103 : i32 to index
        %parallel_loop3A_127 = arith.constant 32 : index
        %parallel_loop3A_128 = tpu.vector_load %arg15[%parallel_loop3A_126, %parallel_loop3A_127] {strides = array<i32>} : memref<512x64xf32, #tpu.memory_space<vmem>>, vector<16xf32>,
        %parallel_loop3A_129 = arith.mulf %parallel_loop3A_128, %parallel_loop3A_125 : vector<16xf32>
        %parallel_loop3A_130 = arith.index_cast %parallel_loop3A_103 : i32 to index
        %parallel_loop3A_131 = arith.constant 32 : index
        %parallel_loop3A_132 = tpu.vector_load %arg15[%parallel_loop3A_130, %parallel_loop3A_131] {strides = array<i32>} : memref<512x64xf32, #tpu.memory_space<vmem>>, vector<16xf32>,
        tpu.vector_store %arg15[%parallel_loop3A_130, %parallel_loop3A_131], %parallel_loop3A_129 {strides = array<i32>} : memref<512x64xf32, #tpu.memory_space<vmem>>, vector<16xf32>,
        %parallel_loop3A_133 = arith.index_cast %parallel_loop3A_103 : i32 to index
        %parallel_loop3A_134 = arith.constant 48 : index
        %parallel_loop3A_135 = tpu.vector_load %arg15[%parallel_loop3A_133, %parallel_loop3A_134] {strides = array<i32>} : memref<512x64xf32, #tpu.memory_space<vmem>>, vector<16xf32>,
        %parallel_loop3A_136 = arith.mulf %parallel_loop3A_135, %parallel_loop3A_125 : vector<16xf32>
        %parallel_loop3A_137 = arith.index_cast %parallel_loop3A_103 : i32 to index
        %parallel_loop3A_138 = arith.constant 48 : index
        %parallel_loop3A_139 = tpu.vector_load %arg15[%parallel_loop3A_137, %parallel_loop3A_138] {strides = array<i32>} : memref<512x64xf32, #tpu.memory_space<vmem>>, vector<16xf32>,
        tpu.vector_store %arg15[%parallel_loop3A_137, %parallel_loop3A_138], %parallel_loop3A_136 {strides = array<i32>} : memref<512x64xf32, #tpu.memory_space<vmem>>, vector<16xf32>,
      } {sc.loop_unroll_factor = 2 : i64, sc.parallel_access}
      %run_scoped3A = arith.constant 0 : i32
      "tpu.region"() ({
        %run_scoped3A_103 = tpu.sem_alloc : memref<!tpu.dma_semaphore, #tpu.memory_space<semaphore_mem>>
        %dma_start3A = arith.constant 0 : i32
        %dma_start3A_104 = tpu.memref_slice %arg9[%run_scoped3A, %dma_start3A] : memref<2x512xi32, #tpu.memory_space<vmem>> -> memref<1x512xi32, #tpu.memory_space<vmem>>
        %dma_start3A_105 = tpu.memref_squeeze %dma_start3A_104 : memref<1x512xi32, #tpu.memory_space<vmem>> -> memref<512xi32, #tpu.memory_space<vmem>>
        %dma_start3A_106 = arith.constant 0 : i32
        %dma_start3A_107 = arith.constant 0 : i32
        %dma_start3A_108 = tpu.memref_slice %arg18[%dma_start3A_106, %dma_start3A_107] : memref<10240x64xf32, #tpu.memory_space<vmem_shared>> -> memref<10240x64xf32, #tpu.memory_space<vmem_shared>>
        tpu.enqueue_indirect_dma source(%arg15 : memref<512x64xf32, #tpu.memory_space<vmem>>) target(%dma_start3A_108 : memref<10240x64xf32, #tpu.memory_space<vmem_shared>>) offsets(%dma_start3A_105 : memref<512xi32, #tpu.memory_space<vmem>>) semaphore(%run_scoped3A_103 : memref<!tpu.dma_semaphore, #tpu.memory_space<semaphore_mem>>) {add = true}
        %dma_wait3A = arith.constant 0 : i32
        %dma_wait3A_109 = tpu.memref_slice %arg9[%run_scoped3A, %dma_wait3A] : memref<2x512xi32, #tpu.memory_space<vmem>> -> memref<1x512xi32, #tpu.memory_space<vmem>>
        %dma_wait3A_110 = tpu.memref_squeeze %dma_wait3A_109 : memref<1x512xi32, #tpu.memory_space<vmem>> -> memref<512xi32, #tpu.memory_space<vmem>>
        %dma_wait3A_111 = arith.constant 0 : i32
        %dma_wait3A_112 = arith.constant 0 : i32
        %dma_wait3A_113 = tpu.memref_slice %arg18[%dma_wait3A_111, %dma_wait3A_112] : memref<10240x64xf32, #tpu.memory_space<vmem_shared>> -> memref<10240x64xf32, #tpu.memory_space<vmem_shared>>
        tpu.wait_indirect_dma semaphore(%run_scoped3A_103 : memref<!tpu.dma_semaphore, #tpu.memory_space<semaphore_mem>>) src(%arg15 : memref<512x64xf32, #tpu.memory_space<vmem>>) dst(%dma_wait3A_113 : memref<10240x64xf32, #tpu.memory_space<vmem_shared>>)
        tpu.yield
      }) : () -> ()
    }
    %scan3A_67 = arith.constant 40 : i32
    %barrier3A_68 = arith.constant 0 : index
    tpu.barrier barrier_id(%barrier3A_68)
    %mul3A_69 = arith.constant 640 : i32
    %mul3A_70 = arith.muli %arg1, %mul3A_69 : i32
    %mul3A_71 = arith.constant 2 : i32
    %mul3A_72 = arith.muli %arg0, %mul3A_71 : i32
    %add3A_73 = arith.constant 1 : i32
    %add3A_74 = arith.addi %mul3A_72, %add3A_73 : i32
    %mul3A_75 = arith.constant 10240 : i32
    %mul3A_76 = arith.muli %add3A_74, %mul3A_75 : i32
    %mul3A_77 = arith.constant 640 : i32
    %mul3A_78 = arith.muli %arg1, %mul3A_77 : i32
    %add3A_79 = arith.addi %mul3A_76, %mul3A_78 : i32
    "tpu.region"() ({
      %run_scoped3A = tpu.sem_alloc : memref<!tpu.dma_semaphore, #tpu.memory_space<semaphore_mem>>
      %dma_start3A = arith.constant 0 : i32
      %dma_start3A_80 = tpu.memref_slice %arg6[%add3A_79, %dma_start3A] : memref<40960x64xf32, #tpu.memory_space<hbm>> -> memref<640x64xf32, #tpu.memory_space<hbm>>
      %dma_start3A_81 = arith.constant 0 : i32
      %dma_start3A_82 = tpu.memref_slice %arg18[%mul3A_70, %dma_start3A_81] : memref<10240x64xf32, #tpu.memory_space<vmem_shared>> -> memref<640x64xf32, #tpu.memory_space<vmem_shared>>
      tpu.enqueue_dma source(%dma_start3A_82 : memref<640x64xf32, #tpu.memory_space<vmem_shared>>) target(%dma_start3A_80 : memref<640x64xf32, #tpu.memory_space<hbm>>) target_semaphore(%run_scoped3A : memref<!tpu.dma_semaphore, #tpu.memory_space<semaphore_mem>>)
      %dma_wait3A = arith.constant 0 : i32
      %dma_wait3A_83 = tpu.memref_slice %arg6[%add3A_79, %dma_wait3A] : memref<40960x64xf32, #tpu.memory_space<hbm>> -> memref<640x64xf32, #tpu.memory_space<hbm>>
      %dma_wait3A_84 = arith.constant 0 : i32
      %dma_wait3A_85 = tpu.memref_slice %arg18[%mul3A_70, %dma_wait3A_84] : memref<10240x64xf32, #tpu.memory_space<vmem_shared>> -> memref<640x64xf32, #tpu.memory_space<vmem_shared>>
      tpu.wait_dma2 semaphore(%run_scoped3A : memref<!tpu.dma_semaphore, #tpu.memory_space<semaphore_mem>>) src(%dma_wait3A_85 : memref<640x64xf32, #tpu.memory_space<vmem_shared>>) dst(%dma_wait3A_83 : memref<640x64xf32, #tpu.memory_space<hbm>>)
      tpu.yield
    }) : () -> ()
    return
  }
}

module attributes {stable_mosaic.version = 14 : i64} {
  func.func @_tc_proj_kernel(%arg0: i32, %arg1: i32, %arg2: memref<1280x128xf32, #tpu.memory_space<vmem>>, %arg3: memref<1x128x64xf32, #tpu.memory_space<vmem>>, %arg4: memref<1x64x16xf32, #tpu.memory_space<vmem>>, %arg5: memref<1x64x16xf32, #tpu.memory_space<vmem>>, %arg6: memref<1280x64xf32, #tpu.memory_space<vmem>>, %arg7: memref<1280x16xf32, #tpu.memory_space<vmem>>, %arg8: memref<1280x16xf32, #tpu.memory_space<vmem>>) attributes {dimension_semantics = [#tpu.dimension_semantics<arbitrary>, #tpu.dimension_semantics<arbitrary>], iteration_bounds = array<i64: 8, 4>, scalar_prefetch = 0 : i64, scratch_operands = 0 : i64, tpu.core_type = #tpu.core_type<tc>, window_params = [{transform_indices = @transform_0, window_bounds = array<i64: 1280, 128>}, {transform_indices = @transform_1, window_bounds = array<i64: 1, 128, 64>}, {transform_indices = @transform_2, window_bounds = array<i64: 1, 64, 16>}, {transform_indices = @transform_3, window_bounds = array<i64: 1, 64, 16>}, {transform_indices = @transform_4, window_bounds = array<i64: 1280, 64>}, {transform_indices = @transform_5, window_bounds = array<i64: 1280, 16>}, {transform_indices = @transform_6, window_bounds = array<i64: 1280, 16>}]} {
    %get3A = arith.constant 0 : index
    %get3A_0 = arith.constant 0 : index
    %get3A_1 = vector.load %arg2[%get3A, %get3A_0] : memref<1280x128xf32, #tpu.memory_space<vmem>>, vector<1280x128xf32>
    %get3A_2 = arith.constant 0 : index
    %get3A_3 = arith.constant 0 : index
    %get3A_4 = arith.constant 0 : index
    %get3A_5 = vector.load %arg3[%get3A_2, %get3A_3, %get3A_4] : memref<1x128x64xf32, #tpu.memory_space<vmem>>, vector<1x128x64xf32>
    %get3A_6 = vector.shape_cast %get3A_5 : vector<1x128x64xf32> to vector<128x64xf32>
    %dot_general3A = arith.constant dense<0.000000e+00> : vector<1280x64xf32>
    %dot_general3A_7 = tpu.matmul %get3A_1, %get3A_6, %dot_general3A {dimension_numbers = #tpu.dot_dimension_numbers<[1], [0], [0], [1], [0, 0, 1, 1], [], []>, precision = #tpu.contract_precision<fp32>, transpose_lhs_hint = false} : vector<1280x128xf32>, vector<128x64xf32>, vector<1280x64xf32> -> vector<1280x64xf32>
    %swap3A = arith.constant 0 : index
    %swap3A_8 = arith.constant 0 : index
    %swap3A_9 = vector.load %arg6[%swap3A, %swap3A_8] : memref<1280x64xf32, #tpu.memory_space<vmem>>, vector<1280x64xf32>
    tpu.vector_store %arg6[%swap3A, %swap3A_8], %dot_general3A_7 {strides = array<i32>} : memref<1280x64xf32, #tpu.memory_space<vmem>>, vector<1280x64xf32>,
    %get3A_10 = arith.constant 0 : index
    %get3A_11 = arith.constant 0 : index
    %get3A_12 = arith.constant 0 : index
    %get3A_13 = vector.load %arg4[%get3A_10, %get3A_11, %get3A_12] : memref<1x64x16xf32, #tpu.memory_space<vmem>>, vector<1x64x16xf32>
    %get3A_14 = vector.shape_cast %get3A_13 : vector<1x64x16xf32> to vector<64x16xf32>
    %dot_general3A_15 = arith.constant dense<0.000000e+00> : vector<1280x16xf32>
    %dot_general3A_16 = tpu.matmul %dot_general3A_7, %get3A_14, %dot_general3A_15 {dimension_numbers = #tpu.dot_dimension_numbers<[1], [0], [0], [1], [0, 0, 1, 1], [], []>, precision = #tpu.contract_precision<fp32>, transpose_lhs_hint = false} : vector<1280x64xf32>, vector<64x16xf32>, vector<1280x16xf32> -> vector<1280x16xf32>
    %get3A_17 = arith.constant 0 : index
    %get3A_18 = arith.constant 0 : index
    %get3A_19 = arith.constant 0 : index
    %get3A_20 = vector.load %arg5[%get3A_17, %get3A_18, %get3A_19] : memref<1x64x16xf32, #tpu.memory_space<vmem>>, vector<1x64x16xf32>
    %get3A_21 = vector.shape_cast %get3A_20 : vector<1x64x16xf32> to vector<64x16xf32>
    %dot_general3A_22 = arith.constant dense<0.000000e+00> : vector<1280x16xf32>
    %dot_general3A_23 = tpu.matmul %dot_general3A_7, %get3A_21, %dot_general3A_22 {dimension_numbers = #tpu.dot_dimension_numbers<[1], [0], [0], [1], [0, 0, 1, 1], [], []>, precision = #tpu.contract_precision<fp32>, transpose_lhs_hint = false} : vector<1280x64xf32>, vector<64x16xf32>, vector<1280x16xf32> -> vector<1280x16xf32>
    %jit3A = arith.constant 2 : i32
    %eq3A = arith.constant 0 : i32
    %eq3A_24 = arith.cmpi eq, %jit3A, %eq3A : i32
    %jit3A_25 = arith.constant 1 : i32
    %select_n3A = arith.select %eq3A_24, %jit3A_25, %jit3A : i32
    %rem3A = arith.remsi %arg1, %select_n3A : i32
    %ne3A = arith.constant 0 : i32
    %ne3A_26 = arith.cmpi ne, %rem3A, %ne3A : i32
    %lt3A = arith.constant 0 : i32
    %lt3A_27 = arith.cmpi slt, %rem3A, %lt3A : i32
    %lt3A_28 = arith.constant 0 : i32
    %lt3A_29 = arith.cmpi slt, %select_n3A, %lt3A_28 : i32
    %ne3A_30 = arith.xori %lt3A_27, %lt3A_29 : i1
    %and3A = arith.andi %ne3A_30, %ne3A_26 : i1
    %add3A = arith.addi %rem3A, %select_n3A : i32
    %select_n3A_31 = arith.select %and3A, %add3A, %rem3A : i32
    %eq3A_32 = arith.constant 0 : i32
    %eq3A_33 = arith.cmpi eq, %select_n3A_31, %eq3A_32 : i32
    %convert_element_type3A = arith.extui %eq3A_33 : i1 to i32
    %cond3A = arith.constant 0 : i32
    %cond3A_34 = arith.cmpi ne, %convert_element_type3A, %cond3A : i32
    scf.if %cond3A_34 {
      %swap3A_56 = arith.constant 0 : index
      %swap3A_57 = arith.constant 0 : index
      %swap3A_58 = vector.load %arg7[%swap3A_56, %swap3A_57] : memref<1280x16xf32, #tpu.memory_space<vmem>>, vector<1280x16xf32>
      tpu.vector_store %arg7[%swap3A_56, %swap3A_57], %dot_general3A_16 {strides = array<i32>} : memref<1280x16xf32, #tpu.memory_space<vmem>>, vector<1280x16xf32>,
      %swap3A_59 = arith.constant 0 : index
      %swap3A_60 = arith.constant 0 : index
      %swap3A_61 = vector.load %arg8[%swap3A_59, %swap3A_60] : memref<1280x16xf32, #tpu.memory_space<vmem>>, vector<1280x16xf32>
      tpu.vector_store %arg8[%swap3A_59, %swap3A_60], %dot_general3A_23 {strides = array<i32>} : memref<1280x16xf32, #tpu.memory_space<vmem>>, vector<1280x16xf32>,
    } else {
    }
    %jit3A_35 = arith.constant 2 : i32
    %eq3A_36 = arith.constant 0 : i32
    %eq3A_37 = arith.cmpi eq, %jit3A_35, %eq3A_36 : i32
    %jit3A_38 = arith.constant 1 : i32
    %select_n3A_39 = arith.select %eq3A_37, %jit3A_38, %jit3A_35 : i32
    %rem3A_40 = arith.remsi %arg1, %select_n3A_39 : i32
    %ne3A_41 = arith.constant 0 : i32
    %ne3A_42 = arith.cmpi ne, %rem3A_40, %ne3A_41 : i32
    %lt3A_43 = arith.constant 0 : i32
    %lt3A_44 = arith.cmpi slt, %rem3A_40, %lt3A_43 : i32
    %lt3A_45 = arith.constant 0 : i32
    %lt3A_46 = arith.cmpi slt, %select_n3A_39, %lt3A_45 : i32
    %ne3A_47 = arith.xori %lt3A_44, %lt3A_46 : i1
    %and3A_48 = arith.andi %ne3A_47, %ne3A_42 : i1
    %add3A_49 = arith.addi %rem3A_40, %select_n3A_39 : i32
    %select_n3A_50 = arith.select %and3A_48, %add3A_49, %rem3A_40 : i32
    %eq3A_51 = arith.constant 1 : i32
    %eq3A_52 = arith.cmpi eq, %select_n3A_50, %eq3A_51 : i32
    %convert_element_type3A_53 = arith.extui %eq3A_52 : i1 to i32
    %cond3A_54 = arith.constant 0 : i32
    %cond3A_55 = arith.cmpi ne, %convert_element_type3A_53, %cond3A_54 : i32
    scf.if %cond3A_55 {
      %get3A_56 = arith.constant 0 : index
      %get3A_57 = arith.constant 0 : index
      %get3A_58 = vector.load %arg7[%get3A_56, %get3A_57] : memref<1280x16xf32, #tpu.memory_space<vmem>>, vector<1280x16xf32>
      %add3A_59 = arith.addf %get3A_58, %dot_general3A_16 : vector<1280x16xf32>
      %swap3A_60 = arith.constant 0 : index
      %swap3A_61 = arith.constant 0 : index
      %swap3A_62 = vector.load %arg7[%swap3A_60, %swap3A_61] : memref<1280x16xf32, #tpu.memory_space<vmem>>, vector<1280x16xf32>
      tpu.vector_store %arg7[%swap3A_60, %swap3A_61], %add3A_59 {strides = array<i32>} : memref<1280x16xf32, #tpu.memory_space<vmem>>, vector<1280x16xf32>,
      %get3A_63 = arith.constant 0 : index
      %get3A_64 = arith.constant 0 : index
      %get3A_65 = vector.load %arg8[%get3A_63, %get3A_64] : memref<1280x16xf32, #tpu.memory_space<vmem>>, vector<1280x16xf32>
      %add3A_66 = arith.addf %get3A_65, %dot_general3A_23 : vector<1280x16xf32>
      %swap3A_67 = arith.constant 0 : index
      %swap3A_68 = arith.constant 0 : index
      %swap3A_69 = vector.load %arg8[%swap3A_67, %swap3A_68] : memref<1280x16xf32, #tpu.memory_space<vmem>>, vector<1280x16xf32>
      tpu.vector_store %arg8[%swap3A_67, %swap3A_68], %add3A_66 {strides = array<i32>} : memref<1280x16xf32, #tpu.memory_space<vmem>>, vector<1280x16xf32>,
    } else {
    }
    return
  }
  func.func @transform_0(%arg0: i32, %arg1: i32) -> (i32, i32) {
    %c0_i32 = arith.constant 0 : i32
    %c0_i32_0 = arith.constant 0 : i32
    return %arg0, %c0_i32 : i32, i32
  }
  func.func @transform_1(%arg0: i32, %arg1: i32) -> (i32, i32, i32) {
    %c0_i32 = arith.constant 0 : i32
    %c0_i32_0 = arith.constant 0 : i32
    %c0_i32_1 = arith.constant 0 : i32
    return %arg1, %c0_i32, %c0_i32_0 : i32, i32, i32
  }
  func.func @transform_2(%arg0: i32, %arg1: i32) -> (i32, i32, i32) {
    %c0_i32 = arith.constant 0 : i32
    %c0_i32_0 = arith.constant 0 : i32
    %c0_i32_1 = arith.constant 0 : i32
    return %arg1, %c0_i32, %c0_i32_0 : i32, i32, i32
  }
  func.func @transform_3(%arg0: i32, %arg1: i32) -> (i32, i32, i32) {
    %c0_i32 = arith.constant 0 : i32
    %c0_i32_0 = arith.constant 0 : i32
    %c0_i32_1 = arith.constant 0 : i32
    return %arg1, %c0_i32, %c0_i32_0 : i32, i32, i32
  }
  func.func @transform_4(%arg0: i32, %arg1: i32) -> (i32, i32) {
    %mul3A = arith.constant 8 : i32
    %mul3A_0 = arith.muli %arg1, %mul3A : i32
    %add3A = arith.addi %mul3A_0, %arg0 : i32
    %c0_i32 = arith.constant 0 : i32
    %c0_i32_1 = arith.constant 0 : i32
    return %add3A, %c0_i32 : i32, i32
  }
  func.func @transform_5(%arg0: i32, %arg1: i32) -> (i32, i32) {
    %jit3A = arith.constant 2 : i32
    %div3A = arith.divsi %arg1, %jit3A : i32
    %sign3A = arith.constant 0 : i32
    %sign3A_0 = arith.cmpi sgt, %arg1, %sign3A : i32
    %sign3A_1 = arith.extui %sign3A_0 : i1 to i32
    %sign3A_2 = arith.constant 0 : i32
    %sign3A_3 = arith.cmpi slt, %arg1, %sign3A_2 : i32
    %sign3A_4 = arith.extui %sign3A_3 : i1 to i32
    %sign3A_5 = arith.subi %sign3A_1, %sign3A_4 : i32
    %sign3A_6 = arith.constant 0 : i32
    %sign3A_7 = arith.cmpi sgt, %jit3A, %sign3A_6 : i32
    %sign3A_8 = arith.extui %sign3A_7 : i1 to i32
    %sign3A_9 = arith.constant 0 : i32
    %sign3A_10 = arith.cmpi slt, %jit3A, %sign3A_9 : i32
    %sign3A_11 = arith.extui %sign3A_10 : i1 to i32
    %sign3A_12 = arith.subi %sign3A_8, %sign3A_11 : i32
    %ne3A = arith.cmpi ne, %sign3A_5, %sign3A_12 : i32
    %rem3A = arith.remsi %arg1, %jit3A : i32
    %ne3A_13 = arith.constant 0 : i32
    %ne3A_14 = arith.cmpi ne, %rem3A, %ne3A_13 : i32
    %and3A = arith.andi %ne3A, %ne3A_14 : i1
    %sub3A = arith.constant 1 : i32
    %sub3A_15 = arith.subi %div3A, %sub3A : i32
    %select_n3A = arith.select %and3A, %sub3A_15, %div3A : i32
    %mul3A = arith.constant 8 : i32
    %mul3A_16 = arith.muli %select_n3A, %mul3A : i32
    %add3A = arith.addi %mul3A_16, %arg0 : i32
    %c0_i32 = arith.constant 0 : i32
    %c0_i32_17 = arith.constant 0 : i32
    return %add3A, %c0_i32 : i32, i32
  }
  func.func @transform_6(%arg0: i32, %arg1: i32) -> (i32, i32) {
    %jit3A = arith.constant 2 : i32
    %div3A = arith.divsi %arg1, %jit3A : i32
    %sign3A = arith.constant 0 : i32
    %sign3A_0 = arith.cmpi sgt, %arg1, %sign3A : i32
    %sign3A_1 = arith.extui %sign3A_0 : i1 to i32
    %sign3A_2 = arith.constant 0 : i32
    %sign3A_3 = arith.cmpi slt, %arg1, %sign3A_2 : i32
    %sign3A_4 = arith.extui %sign3A_3 : i1 to i32
    %sign3A_5 = arith.subi %sign3A_1, %sign3A_4 : i32
    %sign3A_6 = arith.constant 0 : i32
    %sign3A_7 = arith.cmpi sgt, %jit3A, %sign3A_6 : i32
    %sign3A_8 = arith.extui %sign3A_7 : i1 to i32
    %sign3A_9 = arith.constant 0 : i32
    %sign3A_10 = arith.cmpi slt, %jit3A, %sign3A_9 : i32
    %sign3A_11 = arith.extui %sign3A_10 : i1 to i32
    %sign3A_12 = arith.subi %sign3A_8, %sign3A_11 : i32
    %ne3A = arith.cmpi ne, %sign3A_5, %sign3A_12 : i32
    %rem3A = arith.remsi %arg1, %jit3A : i32
    %ne3A_13 = arith.constant 0 : i32
    %ne3A_14 = arith.cmpi ne, %rem3A, %ne3A_13 : i32
    %and3A = arith.andi %ne3A, %ne3A_14 : i1
    %sub3A = arith.constant 1 : i32
    %sub3A_15 = arith.subi %div3A, %sub3A : i32
    %select_n3A = arith.select %and3A, %sub3A_15, %div3A : i32
    %mul3A = arith.constant 8 : i32
    %mul3A_16 = arith.muli %select_n3A, %mul3A : i32
    %add3A = arith.addi %mul3A_16, %arg0 : i32
    %c0_i32 = arith.constant 0 : i32
    %c0_i32_17 = arith.constant 0 : i32
    return %add3A, %c0_i32 : i32, i32
  }
}

</mosaic_0001>

<sc_bundles>
// kernel: kernel.4.cloned.1.call-start
scs
__scs_entry_jumppad:
0x0: {  	(pc) =	sbr.rel $0x88, $3  }
0x1: {  	(tag) =	ssettag $0x0;
	lr =	simm.s32 $0x1  }
0x2: {  	[smem:$0x3F9D] =	sst lr;
	_ =	strace $0xD0000000  }
0x3: {  	_ = 	snop  }
0x4: {  	_ = 	snop  }
0x5: {  	_ = 	snop  }
0x6: {  	_ = 	snop  }
0x7: {  	_ = 	snop  }
__scs_overlays_trampoline_lowered:
0x8: {  	[smem:$0x3FAC] =	sst s0  }
0x9: {  	[smem:$0x3FAD] =	sst s1  }
0xa: {  	[smem:$0x3FAE] =	sst s2  }
0xb: {  	[smem:$0x3FAF] =	sst s3  }
0xc: {  	[smem:$0x3FB0] =	sst s4  }
0xd: {  	[smem:$0x3FB1] =	sst s5  }
0xe: {  	[smem:$0x3FB2] =	sst s6  }
0xf: {  	[smem:$0x3FB3] =	sst s7  }
0x10: {  	[smem:$0x3FB4] =	sst s8  }
0x11: {  	[smem:$0x3FB5] =	sst s9;
	s0 =	simm.s32 @!p0 $0x0  }
0x12: {  	s1 =	sld [smem:$0x3F9B];
	s0 =	simm.s32 @p0 $0x1  }
0x13: {  	[smem:$0x3FB6] =	sst s0;
	s0 =	simm.s32 @!p1 $0x0  }
0x14: {  	s2 =	sld [smem:$0x3F9A];
	s0 =	simm.s32 @p1 $0x1  }
0x15: {  	[smem:$0x3FB7] =	sst s0;
	s0 =	simm.s32 @!p2 $0x0  }
0x16: {  	s3 =	sld [smem:$0x3FDB];
	s0 =	simm.s32 @p2 $0x1  }
0x17: {  	s4 =	simm.s32 $0x1BF5;
	[smem:$0x3FB9] =	sst s0  }
0x18: {  	s0 =	sld [smem:$0x3F9C];
	_ =	swait.ge [sflag:s4], $0x0  }
0x19: {  	s7 =	sld [smem:$0x3F9D]  }
0x1a: {  	s8 =	sadd.s32 $0xFFFFE003, lr  }
0x1b: {  	s9 =	sadd.s32 $0xFFFFFEF7, lr;
	s5 =	simm.s32 $0xFFFFFFFF;
	p2 =	slt.u32 s8, $0xFFFFF086  }
0x1c: {  	p1 =	slt.u32 s9, $0xF7A;
	s5 =	simm.s32 @!p2 $0x0  }
0x1d: {  	s5 =	simm.s32 @p1 $0x1;
	p0 =	seq.s32 s7, s2  }
0x1e: {  	s7 =	smul.u32 @!p0 $0xF7A, s2;
	p2 =	seq.s32 @!p0 s5, $0x0  }
0x1f: {  	s9 =	smul.u32 $0xF7A, s1;
	s8 =	simm.s32 @!p0 $0x1BF5;
	p2 =	por !p2, p0  }
0x20: {  	[sflag:s8] =	ssyncset.s32 @!p0 $0xFFFFF086;
	s6 =	sadd.s32 @!p0 s3, s7;
	s7 =	simm.s32 @!p0 $0x108  }
0x21: {  	s3 =	sadd.s32 s3, s9;
	s6 =	sadd.s32 @!p0 $0x88, s6;
	s7 =	simm.s32 @p2 $0x1082  }
0x22: {  	[simem:s7], [sflag:s8] =	dma.local @!p0 [hbm:s6], $0xF7A  }
0x23: {  	s9 =	sor.u32 $0xD0000000, s2;
	s6 =	simm.s32 $0x108;
	_ =	swait.ge @!p0 [sflag:s8], $0x0  }
0x24: {  	s3 =	sadd.s32 $0x88, s3;
	s6 =	simm.s32 @!p1 $0x1082;
	[sflag:s4] =	ssyncset.s32 $0xFFFFF086  }
0x25: {  	[simem:s6], [sflag:s4] =	dma.local [hbm:s3], $0xF7A  }
0x26: {  	[smem:$0x3F9D] =	sst s1;
	(tag) =	ssettag s2;
	_ =	strace s9  }
0x27: {  	s1 =	sld [smem:$0x3FAD]  }
0x28: {  	s2 =	sld [smem:$0x3FAE]  }
0x29: {  	s4 =	sld [smem:$0x3FB0]  }
0x2a: {  	p0 =	seq.s32 s5, $0x0;
	s5 =	sld [smem:$0x3FB1]  }
0x2b: {  	s6 =	sld [smem:$0x3FB2]  }
0x2c: {  	s7 =	sld [smem:$0x3FB3]  }
0x2d: {  	s3 =	simm.s32 $0x108;
	s8 =	sld [smem:$0x3FB4]  }
0x2e: {  	s3 =	simm.s32 @!p0 $0x1082;
	s9 =	sld [smem:$0x3FB5]  }
0x2f: {  	lr =	sadd.s32 s0, s3;
	s0 =	sld [smem:$0x3FAC]  }
0x30: {  	s3 =	sld [smem:$0x3FAF]  }
0x31: {  	[smem:$0x3FB8] =	sst s10  }
0x32: {  	s10 =	sld [smem:$0x3FB6];
	_ =	sdelay $0x3  }
0x33: {  	p0 =	seq.s32 s10, $0x1;
	s10 =	sld [smem:$0x3FB8];
	_ =	sdelay $0x3  }
0x34: {  	[smem:$0x3FB8] =	sst s10  }
0x35: {  	s10 =	sld [smem:$0x3FB7];
	_ =	sdelay $0x3  }
0x36: {  	p1 =	seq.s32 s10, $0x1;
	s10 =	sld [smem:$0x3FB8];
	_ =	sdelay $0x3  }
0x37: {  	[smem:$0x3FB8] =	sst s10  }
0x38: {  	s10 =	sld [smem:$0x3FB9]  }
0x39: {  	_ = 	snop;
	(pc) =	sbr.ind lr, $3  }
0x3a: {  	_ = 	snop  }
0x3b: {  	_ = 	snop  }
0x3c: {  	p2 =	seq.s32 s10, $0x1;
	s10 =	sld [smem:$0x3FB8]  }
0x3d: {  	_ =	shalt  }
0x3e: {  	_ =	shalt  }
0x3f: {  	_ =	shalt  }
0x40: {  	_ =	shalt  }
0x41: {  	_ =	shalt  }
0x42: {  	_ =	shalt  }
0x43: {  	_ =	shalt  }
0x44: {  	_ =	shalt  }
0x45: {  	_ =	shalt  }
0x46: {  	_ =	shalt  }
0x47: {  	_ =	shalt  }
0x48: {  	_ =	shalt  }
0x49: {  	_ =	shalt  }
0x4a: {  	_ =	shalt  }
0x4b: {  	_ =	shalt  }
0x4c: {  	_ =	shalt  }
0x4d: {  	_ =	shalt  }
0x4e: {  	_ =	shalt  }
0x4f: {  	_ =	shalt  }
0x50: {  	_ =	shalt  }
0x51: {  	_ =	shalt  }
0x52: {  	_ =	shalt  }
0x53: {  	_ =	shalt  }
0x54: {  	_ =	shalt  }
0x55: {  	_ =	shalt  }
0x56: {  	_ =	shalt  }
0x57: {  	_ =	shalt  }
0x58: {  	_ =	shalt  }
0x59: {  	_ =	shalt  }
0x5a: {  	_ =	shalt  }
0x5b: {  	_ =	shalt  }
0x5c: {  	_ =	shalt  }
0x5d: {  	_ =	shalt  }
0x5e: {  	_ =	shalt  }
0x5f: {  	_ =	shalt  }
0x60: {  	_ =	shalt  }
0x61: {  	_ =	shalt  }
0x62: {  	_ =	shalt  }
0x63: {  	_ =	shalt  }
0x64: {  	_ =	shalt  }
0x65: {  	_ =	shalt  }
0x66: {  	_ =	shalt  }
0x67: {  	_ =	shalt  }
0x68: {  	_ =	shalt  }
0x69: {  	_ =	shalt  }
0x6a: {  	_ =	shalt  }
0x6b: {  	_ =	shalt  }
0x6c: {  	_ =	shalt  }
0x6d: {  	_ =	shalt  }
0x6e: {  	_ =	shalt  }
0x6f: {  	_ =	shalt  }
0x70: {  	_ =	shalt  }
0x71: {  	_ =	shalt  }
0x72: {  	_ =	shalt  }
0x73: {  	_ =	shalt  }
0x74: {  	_ =	shalt  }
0x75: {  	_ =	shalt  }
0x76: {  	_ =	shalt  }
0x77: {  	_ =	shalt  }
0x78: {  	_ =	shalt  }
0x79: {  	_ =	shalt  }
0x7a: {  	_ =	shalt  }
0x7b: {  	_ =	shalt  }
0x7c: {  	_ =	shalt  }
0x7d: {  	_ =	shalt  }
0x7e: {  	_ =	shalt  }
0x7f: {  	_ =	shalt  }
0x80: {  	_ =	shalt  }
0x81: {  	_ =	shalt  }
0x82: {  	_ =	shalt  }
0x83: {  	_ =	shalt  }
0x84: {  	_ =	shalt  }
0x85: {  	_ =	shalt  }
0x86: {  	_ =	shalt  }
0x87: {  	_ =	shalt  }
.Lfunc_end0:
.L_simem_size_0:
called_computation_lowered:
.L_overlay_start_0:
0x88: {  	s2 =	sld [smem:$0x3FD9]  }
0x89: {  	s3 =	sld [smem:$0x3FFE];
	_ =	sdelay $0x1  }
0x8a: {  	s1 =	srdreg.scid  }
0x8b: {  	s0 =	sand.u32 $0x1, s1  }
0x8c: {  	s17 =	sshll.u32 s0, $0xA;
	s2 =	sadd.s32 s3, s2  }
0x8d: {  	s2 =	sadd.s32 s2, s17  }
0x8e: {  	[smem:$0x3FC4] =	sst s2  }
0x8f: {  	_ = 	snop  }
0x90: {  	s2 =	sld [smem:$0x3FD0];
	(tm) =	ssettm $0x1  }
0x91: {  	s18 =	sld [smem:$0x3FFB];
	_ =	sdelay $0x3  }
0x92: {  	_ =	strace s18  }
0x93: {  	s3 =	sld [smem:$0x3FFC];
	_ =	sdelay $0x3  }
0x94: {  	_ =	strace s3  }
0x95: {  	s3 =	sld [smem:$0x3FFD];
	_ =	sdelay $0x3  }
0x96: {  	_ =	strace s3  }
0x97: {  	_ =	strace $0x8FFFFFFF  }
0x98: {  	s19 =	sld [smem:$0x3FDB];
	_ =	sdelay $0x1  }
0x99: {  	s4 =	simm.s32 $_scs_section_size  }
0x9a: {  	s5 =	simm.s32 $_size__tile_overlayer_lowered;
	s6 =	simm.s32 $_tile_overlayer_lowered  }
0x9b: {  	s22 =	simm.s32 $0x1BFF;
	s21 =	sshll.u32 s6, $0x1;
	s3 =	sadd.s32 s4, s19  }
0x9c: {  	s7 =	simm.s32 $0x0;
	s20 =	sshll.u32 s5, $0x1;
	s5 =	sadd.s32 s21, s3  }
0x9d: {  	[timem:s7], [sflag:s22] =	dma.local [hbm:s5], s20  }
0x9e: {  	_ =	swait.ge [sflag:s22], s20  }
0x9f: {  	s4 =	ssub.s32 $0x0, s20;
	[sflag:s22] =	ssyncset.done $0x0  }
0xa0: {  	[sflag:s22] =	ssyncadd.s32 s4;
	_ =	sdelay $0x1  }
0xa1: {  	s23 =	simm.s32 $0x1B8B  }
0xa2: {  	_ =	swait.ge [sflag:s23], $0x1  }
0xa3: {  	[sflag:s23] =	ssyncset.done $0x0  }
0xa4: {  	s25 =	simm.s32 $0x1B8E;
	s24 =	sld [smem:$0x3FFE];
	[sflag:s23] =	ssyncadd.s32 $0xFFFFFFFF  }
0xa5: {  	s26 =	simm.s32 $execute0_lowered;
	[smem:$0x3FD2] =	sst s25  }
0xa6: {  	s5 =	sshll.u32 s26, $0x1;
	_ =	strace $0x80000046;
	[dreg:$0x1] =	wrdreg $0xFFFFFFFF  }
0xa7: {  	s28 =	simm.s32 $_size_execute0_lowered;
	s3 =	sadd.s32 s3, s5;
	[dreg:$0x0] =	wrdreg $0x0  }
0xa8: {  	s5 =	sshll.u32 s28, $0x1;
	[dreg:$0x2] =	wrdreg s3  }
0xa9: {  	[dreg:$0x3] =	wrdreg s5  }
0xaa: {  	[dreg:$0x4] =	wrdreg $0xC0  }
0xab: {  	_ =	task [dreg:s7], $0x5FFFF  }
0xac: {  	[dreg:$0x1] =	wrdreg $0xFFFFFFFF  }
0xad: {  	[dreg:$0x0] =	wrdreg $0x60  }
0xae: {  	[dreg:$0x2] =	wrdreg s2  }
0xaf: {  	[dreg:$0x3] =	wrdreg s24  }
0xb0: {  	[dreg:$0x4] =	wrdreg $0x130000  }
0xb1: {  	[dreg:$0x5] =	wrdreg $0x108000  }
0xb2: {  	[dreg:$0x6] =	wrdreg $0x9  }
0xb3: {  	_ =	task.clear_ibuf [dreg:s7], $0x7FFFF;
	_ =	strace $0x90000046  }
0xb4: {  	s29 =	simm.s32 $0x9;
	_ =	strace $0x80000048  }
0xb5: {  	_ =	swait.ge [sflag:s29], $0x1  }
0xb6: {  	[sflag:s29] =	ssyncadd.s32 $0xFFFFFFFF  }
0xb7: {  	_ =	strace $0x90000048  }
0xb8: {  	_ =	sfence  }
0xb9: {  	s30 =	sld [smem:$0x0];
	_ =	sdelay $0x2  }
0xba: {  	s31 =	sshll.u32 s1, $0xD;
	s1 =	sshrl.u32 s1, $0x2  }
0xbb: {  	s3 =	sand.u32 $0x4000, s31;
	s1 =	sadd.s32 s1, s30  }
0xbc: {  	s0 =	sor.u32 s3, s0;
	s1 =	sshll.u32 s1, $0x11  }
0xbd: {  	s0 =	sor.u32 s1, s0  }
0xbe: {  	s0 =	sadd.s32 $0x8F2B, s0  }
0xbf: {  	[sflag:s0] =	ssyncadd.remote.s32 $0x1  }
0xc0: {  	_ =	sfence.sel $0xFFFF  }
0xc1: {  	[dreg:$0x0] =	wrdreg $0xFFFFFFFF;
	(pc) =	sbr.abs _section_cstart, $3  }
0xc2: {  	[dreg:$0x1] =	wrdreg $0xFFFFFFFF  }
0xc3: {  	_ =	task.clear_ibuf [dreg:s7], $0x2FFFF;
	_ =	strace $0x9FFFFFFF  }
0xc4: {  	(tm) =	ssettm $0x7FFFFFFF  }
0xc5: {  	_ =	shalt  }
tec
execute0_lowered:
.L_overlay_start_1:
0x0: {  	(tag) =	ssettag $0x1  }
0x1: {  	s1 =	rddreg [dreg:$0x0]  }
0x2: {  	s0 =	rddreg [dreg:$0x1]  }
0x3: {  	s2 =	rddreg [dreg:$0x2]  }
0x4: {  	s3 =	rddreg [dreg:$0x3]  }
0x5: {  	s4 =	simm.s32 $0x0;
	s5 =	srdreg.scid;
	s18 =	stileid.u32  }
0x6: {  	s20 =	simm.s32 $0x8600;
	s21 =	simm.s32 $0x1;
	s22 =	simm.s32 $0x4600  }
0x7: {  	s23 =	simm.s32 $0x200;
	s24 =	simm.s32 $0x400;
	s28 =	simm.s32 $0x2600  }
0x8: {  	s29 =	simm.s32 $0x6600;
	s30 =	simm.s32 $0x0;
	[smem:$0x7FF] =	sst s4  }
0x9: {  	s6 =	sadd.s32 $0xF0600, s0;
	s7 =	sadd.s32 $0x600, s0;
	s13 =	smul.u32 $0x280, s18  }
0xa: {  	s8 =	sadd.s32 $0xFA600, s0;
	s5 =	sand.u32 $0x1, s5;
	s12 =	smul.u32 $0x28000, s18  }
0xb: {  	s14 =	sadd.s32 $0xA600, s0;
	s9 =	sadd.s32 $0x14A600, s0;
	s10 =	sadd.s32 $0x28A600, s0  }
0xc: {  	s16 =	smul.u32 $0xA000, s18;
	_ =	strace $0x80000047;
	s11 =	ssub.s32 $0x2, s5  }
0xd: {  	s17 =	smul.u32 $0x5000, s5;
	s25 =	sshrl.u32 s11, $0x1;
	s12 =	sshrl.u32 s12, $0x2  }
0xe: {  	s15 =	sadd.s32 $0x200, s13;
	s16 =	sshrl.u32 s16, $0x2;
	s0 =	ssub.s32 s11, s25  }
0xf: {  	s11 =	sadd.s32 s12, s2;
	s26 =	sshll.u32 s15, $0x6;
	s15 =	sshll.u32 s15, $0x4  }
0x10: {  	v0 =	vimm.s32 $0xBA987654;
	s16 =	sadd.s32 s16, s3;
	s31 =	sadd.s32 s13, s17;
	s19 =	sadd.s32 $0x2800, s17  }
0x11: {  	v1 =	vimm.s32 $0x32100000;
	v0 =	vunpack.c.l.s4.s8 v0;
	[dreg:$0x5] =	wrdreg s16;
	s15 =	sadd.s32 s15, s3;
	s16 =	smul.u32 $0x280, s5  }
0x12: {  	v1 =	vunpack.c.l.s4.s8 v1;
	s13 =	sadd.s32 s13, s19;
	s5 =	smul.u32 $0x2800, s5;
	s0 =	smax.u32 s0, $0x1  }
0x13: {  	v3 =	vunpack.c.0.s8.s32 v0;
	[dreg:$0x6] =	wrdreg s15;
	s15 =	smul.u32 $0x28, s18;
	s18 =	sshll.u32 s31, $0x3  }
0x14: {  	vm0 =	vcmask $0xF20;
	v4 =	vunpack.c.0.s8.s32 v1;
	s13 =	sshll.u32 s13, $0x3;
	[dreg:$0x9] =	wrdreg s0;
	s18 =	sadd.s32 s14, s18  }
0x15: {  	v1 =	vmov s17;
	s25 =	simm.s32 $0x600;
	v2 =	vmov s19;
	v5 =	vand.u32 $0xF, v3;
	s13 =	sadd.s32 s14, s13;
	[dreg:$0x7] =	wrdreg s18  }
0x16: {  	s12 =	sadd.s32 s26, s2;
	s26 =	simm.s32 $0x10600;
	v3 =	vimm.f32 $0.0e+00;
	v4 =	vcombine.low v4, v5;
	v0 =	vmov s5;
	[dreg:$0x8] =	wrdreg s13  }
.LBB2_1:
0x17: {  	s0 =	simm.s32 $0x8680  }
0x18: {  	[tilespmem:s0+$0xFFFFFF80] =	vst v3  }
0x19: {  	[tilespmem:s0+$0x70] =	vst v3  }
0x1a: {  	[tilespmem:s0+$0x60] =	vst v3  }
0x1b: {  	[tilespmem:s0+$0x50] =	vst v3  }
0x1c: {  	[tilespmem:s0+$0x40] =	vst v3  }
0x1d: {  	[tilespmem:s0+$0x30] =	vst v3  }
0x1e: {  	[tilespmem:s0+$0x20] =	vst v3  }
0x1f: {  	[tilespmem:s0+$0x10] =	vst v3  }
0x20: {  	[tilespmem:s0+$0x0] =	vst v3  }
0x21: {  	[tilespmem:s0+$0xFFFFFFF0] =	vst v3  }
0x22: {  	[tilespmem:s0+$0xFFFFFFE0] =	vst v3  }
0x23: {  	[tilespmem:s0+$0xFFFFFFD0] =	vst v3  }
0x24: {  	[tilespmem:s0+$0xFFFFFFC0] =	vst v3  }
0x25: {  	[tilespmem:s0+$0xFFFFFFB0] =	vst v3  }
0x26: {  	s13 =	simm.s32 $0x0;
	[tilespmem:s0+$0xFFFFFFA0] =	vst v3  }
.LBB2_2:
0x27: {  	s13 =	sadd.s32 $0x4, s13;
	[tilespmem:s0+$0xFFFFFF90] =	vst v3;
	s0 =	sadd.s32 $0x100, s0;
	s5 =	simm.s32 $0x4620  }
0x28: {  	[tilespmem:s0+$0xFFFFFF80] =	vst v3;
	p0 =	slt.u32 s13, $0x1FC  }
0x29: {  	[tilespmem:s0+$0x70] =	vst v3  }
0x2a: {  	[tilespmem:s0+$0x60] =	vst v3  }
0x2b: {  	[tilespmem:s0+$0x50] =	vst v3  }
0x2c: {  	[tilespmem:s0+$0x40] =	vst v3  }
0x2d: {  	[tilespmem:s0+$0x30] =	vst v3  }
0x2e: {  	[tilespmem:s0+$0x20] =	vst v3  }
0x2f: {  	[tilespmem:s0+$0x10] =	vst v3  }
0x30: {  	[tilespmem:s0+$0x0] =	vst v3  }
0x31: {  	[tilespmem:s0+$0xFFFFFFF0] =	vst v3  }
.Ltmp0:
0x32: {  	[tilespmem:s0+$0xFFFFFFE0] =	vst v3;
	(pc) =	sbr.rel @p0 .LBB2_2-.Ltmp0, $4  }
0x33: {  	[tilespmem:s0+$0xFFFFFFD0] =	vst v3  }
0x34: {  	[tilespmem:s0+$0xFFFFFFC0] =	vst v3  }
0x35: {  	[tilespmem:s0+$0xFFFFFFB0] =	vst v3  }
0x36: {  	[tilespmem:s0+$0xFFFFFFA0] =	vst v3  }
0x37: {  	[tilespmem:s0+$0xFFFFFF90] =	vst v3  }
0x38: {  	[tilespmem:s5+$0xFFFFFFE0] =	vst v3  }
0x39: {  	[tilespmem:s5+$0x10] =	vst v3  }
0x3a: {  	s0 =	simm.s32 $0x0;
	[tilespmem:s5+$0x0] =	vst v3  }
.LBB2_4:
0x3b: {  	s0 =	sadd.s32 $0x4, s0  }
0x3c: {  	[tilespmem:s5+$0xFFFFFFF0] =	vst v3;
	s5 =	sadd.s32 $0x40, s5;
	p0 =	slt.u32 s0, $0x1FC  }
.Ltmp1:
0x3d: {  	[tilespmem:s5+$0xFFFFFFE0] =	vst v3;
	(pc) =	sbr.rel @p0 .LBB2_4-.Ltmp1, $3  }
0x3e: {  	_ =	sdelay $0x1  }
0x3f: {  	[tilespmem:s5+$0x10] =	vst v3  }
0x40: {  	[tilespmem:s5+$0x0] =	vst v3  }
0x41: {  	[tilespmem:s5+$0xFFFFFFF0] =	vst v3  }
0x42: {  	[spmem:s11] =	stream.linear.scatter [tilespmem:s20], [sflag:$0x1], $0x8000, $0x38;
	[tilespmem:$0x1D000] =	vst v63  }
0x43: {  	_ =	swait.ge [sflag:s21], $0x8000  }
0x44: {  	[sflag:s21] =	ssyncset.done $0x0  }
0x45: {  	[sflag:s21] =	ssyncadd.s32 $0xFFFF8000  }
0x46: {  	[spmem:s12] =	stream.linear.scatter [tilespmem:s20], [sflag:$0x1], $0x2000, $0x38;
	[tilespmem:$0x1D000] =	vst v63  }
0x47: {  	_ =	swait.ge [sflag:s21], $0x2000  }
0x48: {  	[sflag:s21] =	ssyncset.done $0x0  }
0x49: {  	s0 =	rddreg [dreg:$0x5];
	[sflag:s21] =	ssyncadd.s32 $0xFFFFE000  }
0x4a: {  	[spmem:s0] =	stream.linear.scatter [tilespmem:s22], [sflag:$0x1], $0x2000, $0x38;
	[tilespmem:$0x1D000] =	vst v63  }
0x4b: {  	_ =	swait.ge [sflag:s21], $0x2000  }
0x4c: {  	[sflag:s21] =	ssyncset.done $0x0  }
0x4d: {  	s31 =	rddreg [dreg:$0x6];
	[sflag:s21] =	ssyncadd.s32 $0xFFFFE000  }
0x4e: {  	[spmem:s31] =	stream.linear.scatter [tilespmem:s22], [sflag:$0x1], $0x800, $0x38;
	[tilespmem:$0x1D000] =	vst v63  }
0x4f: {  	_ =	swait.ge [sflag:s21], $0x800  }
0x50: {  	[sflag:s21] =	ssyncset.done $0x0  }
0x51: {  	[sflag:s21] =	ssyncadd.s32 $0xFFFFF800  }
0x52: {  	s0 =	simm.s32 $0x0;
	[bflag:$0x0] =	sbarrier.arrive $0xFFFF  }
.LBB2_6:
0x53: {  	s5 =	sadd.s32 s15, s0  }
0x54: {  	s13 =	sshll.u32 s5, $0x7  }
0x55: {  	s13 =	sadd.s32 s1, s13  }
0x56: {  	[tilespmem:s4], [sflag:$0x1] =	stream.linear.gather [hbm4b:s13+s4], $0x400, $0x38;
	[tilespmem:$0x1D000] =	vst v63  }
0x57: {  	_ =	swait.ge [sflag:s21], $0x400  }
0x58: {  	[sflag:s21] =	ssyncset.done $0x0  }
0x59: {  	s31 =	simm.s32 $0x20;
	[sflag:s21] =	ssyncadd.s32 $0xFFFFFC00  }
0x5a: {  	v5 =	vld [tilespmem:s31+$0xFFFFFFE0]  }
0x5b: {  	v7 =	vld [tilespmem:s31+$0x0]  }
0x5c: {  	v6 =	vld [tilespmem:s31+$0x10]  }
0x5d: {  	v8 =	vld [tilespmem:s31+$0xFFFFFFF0];
	_ =	sdelay $0x1  }
0x5e: {  	s14 =	simm.s32 $0x60;
	s13 =	simm.s32 $0x420;
	v9 =	vadd.s32 v0, v5  }
0x5f: {  	v5 =	vld [tilespmem:s14+$0xFFFFFFE0];
	v10 =	vadd.s32 v0, v7;
	[tilespmem:s13+$0xFFFFFFE0] =	vst v9  }
0x60: {  	v7 =	vld [tilespmem:s14+$0x0];
	v9 =	vadd.s32 v0, v6;
	[tilespmem:s13+$0x0] =	vst v10  }
0x61: {  	s18 =	simm.s32 $0x4;
	v8 =	vadd.s32 v0, v8;
	v6 =	vld [tilespmem:s14+$0x10];
	[tilespmem:s13+$0x10] =	vst v9  }
.LBB2_7:
0x62: {  	s18 =	sadd.s32 $0x4, s18  }
0x63: {  	v9 =	vld [tilespmem:s14+$0xFFFFFFF0];
	[tilespmem:s13+$0xFFFFFFF0] =	vst v8;
	s13 =	sadd.s32 $0x40, s13;
	s17 =	simm.s32 $0x230;
	p0 =	slt.u32 s18, $0x1C  }
.Ltmp2:
0x64: {  	(pc) =	sbr.rel @p0 .LBB2_7-.Ltmp2, $4  }
0x65: {  	s14 =	sadd.s32 $0x40, s14;
	v8 =	vadd.s32 v0, v5  }
0x66: {  	v5 =	vld [tilespmem:s14+$0xFFFFFFE0];
	[tilespmem:s13+$0xFFFFFFE0] =	vst v8;
	v8 =	vadd.s32 v0, v6  }
0x67: {  	v6 =	vld [tilespmem:s14+$0x10];
	v10 =	vadd.s32 v0, v7;
	[tilespmem:s13+$0x10] =	vst v8  }
0x68: {  	v7 =	vld [tilespmem:s14+$0x0];
	v8 =	vadd.s32 v0, v9;
	[tilespmem:s13+$0x0] =	vst v10  }
0x69: {  	v9 =	vld [tilespmem:s14+$0xFFFFFFF0];
	_ =	sdelay $0x1  }
0x6a: {  	[tilespmem:s13+$0xFFFFFFF0] =	vst v8;
	s31 =	sadd.s32 $0x40, s13;
	v5 =	vadd.s32 v0, v5  }
0x6b: {  	[tilespmem:s31+$0xFFFFFFE0] =	vst v5;
	v5 =	vadd.s32 v0, v6  }
0x6c: {  	v6 =	vadd.s32 v0, v7;
	[tilespmem:s31+$0x10] =	vst v5  }
0x6d: {  	v5 =	vadd.s32 v0, v9;
	[tilespmem:s31+$0x0] =	vst v6  }
0x6e: {  	[tilespmem:s31+$0xFFFFFFF0] =	vst v5  }
0x6f: {  	v5 =	vld [tilespmem:s17+$0xFFFFFFD0]  }
0x70: {  	v7 =	vld [tilespmem:s17+$0xFFFFFFF0]  }
0x71: {  	v6 =	vld [tilespmem:s17+$0x0]  }
0x72: {  	v8 =	vld [tilespmem:s17+$0xFFFFFFE0];
	_ =	sdelay $0x1  }
0x73: {  	s13 =	simm.s32 $0x10620;
	s14 =	simm.s32 $0x270;
	v9 =	vadd.s32 v0, v5  }
0x74: {  	v5 =	vld [tilespmem:s14+$0xFFFFFFD0];
	v10 =	vadd.s32 v0, v7;
	[tilespmem:s13+$0xFFFFFFE0] =	vst v9  }
0x75: {  	v7 =	vld [tilespmem:s14+$0xFFFFFFF0];
	v9 =	vadd.s32 v0, v6;
	[tilespmem:s13+$0x0] =	vst v10  }
0x76: {  	s17 =	simm.s32 $0x4;
	v8 =	vadd.s32 v0, v8;
	v6 =	vld [tilespmem:s14+$0x0];
	[tilespmem:s13+$0x10] =	vst v9  }
.LBB2_9:
0x77: {  	s17 =	sadd.s32 $0x4, s17  }
0x78: {  	v9 =	vld [tilespmem:s14+$0xFFFFFFE0];
	[tilespmem:s13+$0xFFFFFFF0] =	vst v8;
	s13 =	sadd.s32 $0x40, s13;
	p0 =	slt.u32 s17, $0x1C  }
.Ltmp3:
0x79: {  	(pc) =	sbr.rel @p0 .LBB2_9-.Ltmp3, $4  }
0x7a: {  	s14 =	sadd.s32 $0x40, s14;
	v8 =	vadd.s32 v0, v5  }
0x7b: {  	v5 =	vld [tilespmem:s14+$0xFFFFFFD0];
	[tilespmem:s13+$0xFFFFFFE0] =	vst v8;
	v8 =	vadd.s32 v0, v6  }
0x7c: {  	v6 =	vld [tilespmem:s14+$0x0];
	v10 =	vadd.s32 v0, v7;
	[tilespmem:s13+$0x10] =	vst v8  }
0x7d: {  	v7 =	vld [tilespmem:s14+$0xFFFFFFF0];
	v8 =	vadd.s32 v0, v9;
	[tilespmem:s13+$0x0] =	vst v10  }
0x7e: {  	v9 =	vld [tilespmem:s14+$0xFFFFFFE0];
	_ =	sdelay $0x1  }
0x7f: {  	[tilespmem:s13+$0xFFFFFFF0] =	vst v8;
	s18 =	sadd.s32 $0x40, s13;
	v5 =	vadd.s32 v0, v5  }
0x80: {  	[tilespmem:s18+$0xFFFFFFE0] =	vst v5;
	v5 =	vadd.s32 v0, v6  }
0x81: {  	v6 =	vadd.s32 v0, v7;
	[tilespmem:s18+$0x10] =	vst v5  }
0x82: {  	v5 =	vadd.s32 v0, v9;
	[tilespmem:s18+$0x0] =	vst v6  }
0x83: {  	[tilespmem:s18+$0xFFFFFFF0] =	vst v5  }
0x84: {  	[tilespmem:s25], [sflag:$0x1] =	stream.indirect.gather [hbm4b:s6+s23], $0x10, s24, s23, $0xb8;
	[tilespmem:$0x1D000] =	vst v63  }
0x85: {  	_ =	swait.ge [sflag:s21], $0x2000  }
0x86: {  	[sflag:s21] =	ssyncset.done $0x0  }
0x87: {  	[sflag:s21] =	ssyncadd.s32 $0xFFFFE000  }
0x88: {  	[tilespmem:s28], [sflag:$0x1] =	stream.indirect.gather [hbm4b:s7+s23], $0x10, s26, s23, $0xb8;
	[tilespmem:$0x1D000] =	vst v63  }
0x89: {  	_ =	swait.ge [sflag:s21], $0x2000  }
0x8a: {  	[sflag:s21] =	ssyncset.done $0x0  }
0x8b: {  	s19 =	simm.s32 $0x620;
	[sflag:s21] =	ssyncadd.s32 $0xFFFFE000  }
0x8c: {  	s31 =	simm.s32 $0x2620;
	v5 =	vld [tilespmem:s19+$0x10]  }
0x8d: {  	v6 =	vld [tilespmem:s31+$0x10]  }
0x8e: {  	v7 =	vld [tilespmem:s31+$0xFFFFFFE0]  }
0x8f: {  	v8 =	vld [tilespmem:s19+$0xFFFFFFF0]  }
0x90: {  	v9 =	vld [tilespmem:s31+$0xFFFFFFF0]  }
0x91: {  	v10 =	vld [tilespmem:s19+$0x0]  }
0x92: {  	v11 =	vld [tilespmem:s31+$0x0]  }
0x93: {  	v12 =	vld [tilespmem:s19+$0xFFFFFFE0]  }
0x94: {  	s18 =	simm.s32 $0x660  }
0x95: {  	s14 =	simm.s32 $0x2660;
	v14 =	vld [tilespmem:s18+$0x10]  }
0x96: {  	v15 =	vld [tilespmem:s14+$0x10];
	v13 =	vadd.f32 v6, v5  }
0x97: {  	v9 =	vadd.f32 v9, v8;
	v5 =	vld [tilespmem:s14+$0xFFFFFFE0];
	v17 =	vadd.f32 v11, v10  }
0x98: {  	v6 =	vld [tilespmem:s18+$0xFFFFFFF0];
	v12 =	vadd.f32 v7, v12;
	v16 =	vmul.f32 $2.000000030e-01, v13  }
0x99: {  	v8 =	vld [tilespmem:s14+$0xFFFFFFF0];
	vm1 =	vgt.f32 v13, $0.0e+00;
	v11 =	vmul.f32 $2.000000030e-01, v9;
	v63 =	vmul.f32 $2.000000030e-01, v17  }
0x9a: {  	s13 =	simm.s32 $0x4620;
	v7 =	vld [tilespmem:s18+$0x0];
	vm2 =	vgt.f32 v17, $0.0e+00;
	v10 =	vsel vm1, v13, v16;
	vm1 =	vgt.f32 v9, $0.0e+00  }
0x9b: {  	v13 =	vmul.f32 $2.000000030e-01, v12;
	[tilespmem:s13+$0x10] =	vst v10;
	v11 =	vsel vm1, v9, v11;
	v9 =	vld [tilespmem:s14+$0x0];
	v10 =	vadd.f32 v15, v14  }
0x9c: {  	s17 =	simm.s32 $0x4;
	vm1 =	vgt.f32 v12, $0.0e+00;
	v14 =	vsel vm2, v17, v63;
	[tilespmem:s13+$0xFFFFFFF0] =	vst v11;
	v11 =	vld [tilespmem:s18+$0xFFFFFFE0];
	s18 =	simm.s32 $0x6A0  }
.LBB2_11:
0x9d: {  	v15 =	vld [tilespmem:s18+$0x10];
	v16 =	vmul.f32 $2.000000030e-01, v10;
	s14 =	sadd.s32 $0x40, s14;
	v12 =	vsel vm1, v12, v13;
	[tilespmem:s13+$0x0] =	vst v14  }
0x9e: {  	s17 =	sadd.s32 $0x4, s17;
	vm1 =	vgt.f32 v10, $0.0e+00;
	v13 =	vld [tilespmem:s14+$0x10];
	v14 =	vadd.f32 v8, v6;
	[tilespmem:s13+$0xFFFFFFE0] =	vst v12  }
0x9f: {  	p0 =	slt.u32 s17, $0x1FC;
	s13 =	sadd.s32 $0x40, s13;
	v17 =	vld [tilespmem:s14+$0xFFFFFFE0];
	v8 =	vsel vm1, v10, v16  }
.Ltmp4:
0xa0: {  	v6 =	vld [tilespmem:s18+$0xFFFFFFF0];
	vm1 =	vgt.f32 v14, $0.0e+00;
	v10 =	vmul.f32 $2.000000030e-01, v14;
	v16 =	vadd.f32 v9, v7;
	[tilespmem:s13+$0x10] =	vst v8;
	(pc) =	sbr.rel @p0 .LBB2_11-.Ltmp4, $4  }
0xa1: {  	v8 =	vld [tilespmem:s14+$0xFFFFFFF0];
	v12 =	vadd.f32 v5, v11  }
0xa2: {  	v7 =	vld [tilespmem:s18+$0x0];
	v18 =	vsel vm1, v14, v10;
	vm2 =	vgt.f32 v16, $0.0e+00;
	v14 =	vmul.f32 $2.000000030e-01, v16  }
0xa3: {  	v9 =	vld [tilespmem:s14+$0x0];
	v10 =	vadd.f32 v13, v15;
	vm1 =	vgt.f32 v12, $0.0e+00;
	v13 =	vmul.f32 $2.000000030e-01, v12;
	[tilespmem:s13+$0xFFFFFFF0] =	vst v18  }
0xa4: {  	v11 =	vld [tilespmem:s18+$0xFFFFFFE0];
	s18 =	sadd.s32 $0x40, s18;
	v14 =	vsel vm2, v16, v14;
	v5 =	vmov v17  }
0xa5: {  	_ =	sdelay $0x1  }
0xa6: {  	v6 =	vadd.f32 v8, v6  }
0xa7: {  	v60 =	vmul.f32 $2.000000030e-01, v10;
	v12 =	vsel vm1, v12, v13;
	v7 =	vadd.f32 v9, v7  }
0xa8: {  	[tilespmem:s13+$0x0] =	vst v14;
	vm1 =	vgt.f32 v10, $0.0e+00;
	v61 =	vmul.f32 $2.000000030e-01, v6;
	v5 =	vadd.f32 v5, v11  }
0xa9: {  	s31 =	sadd.s32 $0x40, s13;
	[tilespmem:s13+$0xFFFFFFE0] =	vst v12;
	v8 =	vsel vm1, v10, v60;
	vm1 =	vgt.f32 v6, $0.0e+00;
	v62 =	vmul.f32 $2.000000030e-01, v7  }
0xaa: {  	[tilespmem:s31+$0x10] =	vst v8;
	v6 =	vsel vm1, v6, v61;
	vm1 =	vgt.f32 v7, $0.0e+00;
	v63 =	vmul.f32 $2.000000030e-01, v5  }
0xab: {  	s5 =	sadd.s32 s16, s5;
	vm2 =	vgt.f32 v5, $0.0e+00;
	[tilespmem:s31+$0xFFFFFFF0] =	vst v6;
	v6 =	vsel vm1, v7, v62  }
0xac: {  	s5 =	sshll.u32 s5, $0xA;
	v5 =	vsel vm2, v5, v63;
	[tilespmem:s31+$0x0] =	vst v6  }
0xad: {  	s5 =	sadd.s32 s9, s5;
	[tilespmem:s31+$0xFFFFFFE0] =	vst v5  }
0xae: {  	[hbm4b:s5+s4] =	stream.linear.scatter [tilespmem:s22], [sflag:$0x1], $0x2000, $0x38;
	[tilespmem:$0x1D000] =	vst v63  }
0xaf: {  	s0 =	sadd.s32 $0x1, s0;
	_ =	swait.ge [sflag:s21], $0x2000  }
0xb0: {  	p0 =	sne.s32 s0, $0x28;
	[sflag:s21] =	ssyncset.done $0x0  }
.Ltmp5:
0xb1: {  	[sflag:s21] =	ssyncadd.s32 $0xFFFFE000;
	(pc) =	sbr.rel @p0 .LBB2_6-.Ltmp5, $4  }
0xb2: {  	[spmem:s3] =	stream.indirect.scatter.add.f32 [tilespmem:s22], [sflag:$0x1], $0x10, s4, s23, $0xb8;
	[tilespmem:$0x1D000] =	vst v63  }
0xb3: {  	_ =	swait.ge [sflag:s21], $0x2000  }
0xb4: {  	[sflag:s21] =	ssyncset.done $0x0  }
0xb5: {  	[sflag:s21] =	ssyncadd.s32 $0xFFFFE000  }
0xb6: {  	[bflag:$0x0] =	sbarrier.arrive $0xFFFF;
	s0 =	simm.s32 $0x0  }
.LBB2_14:
0xb7: {  	s5 =	sadd.s32 s15, s0  }
0xb8: {  	s13 =	sshll.u32 s5, $0x7  }
0xb9: {  	s13 =	sadd.s32 s1, s13  }
0xba: {  	[tilespmem:s4], [sflag:$0x1] =	stream.linear.gather [hbm4b:s13+s4], $0x400, $0x38;
	[tilespmem:$0x1D000] =	vst v63  }
0xbb: {  	s5 =	sadd.s32 s16, s5;
	_ =	swait.ge [sflag:s21], $0x400  }
0xbc: {  	s5 =	sshll.u32 s5, $0xA;
	[sflag:s21] =	ssyncset.done $0x0  }
0xbd: {  	s17 =	sadd.s32 s9, s5;
	[sflag:s21] =	ssyncadd.s32 $0xFFFFFC00  }
0xbe: {  	[tilespmem:s22], [sflag:$0x1] =	stream.linear.gather [hbm4b:s17+s4], $0x2000, $0x38;
	[tilespmem:$0x1D000] =	vst v63  }
0xbf: {  	_ =	swait.ge [sflag:s21], $0x2000  }
0xc0: {  	[sflag:s21] =	ssyncset.done $0x0  }
0xc1: {  	[sflag:s21] =	ssyncadd.s32 $0xFFFFE000  }
0xc2: {  	[tilespmem:s29], [sflag:$0x1] =	stream.indirect.gather [spmem:s3], $0x10, s4, s23, $0xb8;
	[tilespmem:$0x1D000] =	vst v63  }
0xc3: {  	_ =	swait.ge [sflag:s21], $0x2000  }
0xc4: {  	[sflag:s21] =	ssyncset.done $0x0  }
0xc5: {  	s18 =	simm.s32 $0x4620;
	[sflag:s21] =	ssyncadd.s32 $0xFFFFE000  }
0xc6: {  	s14 =	simm.s32 $0x6620;
	v5 =	vld [tilespmem:s18+$0x10]  }
0xc7: {  	v6 =	vld [tilespmem:s14+$0x10]  }
0xc8: {  	v7 =	vld [tilespmem:s14+$0xFFFFFFE0]  }
0xc9: {  	v8 =	vld [tilespmem:s18+$0xFFFFFFF0]  }
0xca: {  	v9 =	vld [tilespmem:s14+$0xFFFFFFF0]  }
0xcb: {  	v10 =	vld [tilespmem:s18+$0x0]  }
0xcc: {  	s19 =	simm.s32 $0x4660;
	v11 =	vld [tilespmem:s14+$0x0]  }
0xcd: {  	s31 =	simm.s32 $0x6660;
	v12 =	vld [tilespmem:s19+$0x10];
	v5 =	vsub.f32 v5, v6  }
0xce: {  	v13 =	vld [tilespmem:s31+$0x10]  }
0xcf: {  	v6 =	vld [tilespmem:s18+$0xFFFFFFE0];
	v8 =	vsub.f32 v8, v9;
	v5 =	vmul.f32 $1.442695020e+00, v5  }
0xd0: {  	v14 =	vld [tilespmem:s31+$0xFFFFFFF0]  }
0xd1: {  	v15 =	vld [tilespmem:s19+$0x0];
	v8 =	vmul.f32 $1.442695020e+00, v8;
	(erf) = vpow2.f32 v5  }
0xd2: {  	v9 =	vld [tilespmem:s31+$0xFFFFFFE0]  }
0xd3: {  	v5 =	vld [tilespmem:s19+$0xFFFFFFF0];
	(erf) = vpow2.f32 v8;
	v8 =	vsub.f32 v10, v11  }
0xd4: {  	v10 =	vld [tilespmem:s31+$0x0];
	v6 =	vsub.f32 v6, v7  }
0xd5: {  	v7 =	vld [tilespmem:s19+$0xFFFFFFE0];
	v8 =	vmul.f32 $1.442695020e+00, v8  }
0xd6: {  	v12 =	vsub.f32 v12, v13;
	v13 =	vmul.f32 $1.442695020e+00, v6  }
0xd7: {  	s14 =	simm.s32 $0x66A0;
	(erf) = vpow2.f32 v8  }
0xd8: {  	v16 =	vld [tilespmem:s14+$0x10];
	s18 =	simm.s32 $0x46A0;
	v12 =	vmul.f32 $1.442695020e+00, v12;
	(erf) = vpow2.f32 v13  }
0xd9: {  	v11 =	vld [tilespmem:s18+$0x10];
	v8 =	vsub.f32 v5, v14  }
0xda: {  	v6 =	vld [tilespmem:s14+$0xFFFFFFE0];
	v10 =	vsub.f32 v15, v10;
	v15 =	vsub.f32 v7, v9;
	v13 =	vpop (erf);
	(erf) = vpow2.f32 v12  }
0xdb: {  	v5 =	vld [tilespmem:s18+$0xFFFFFFF0];
	v14 =	vmul.f32 $1.442695020e+00, v8  }
0xdc: {  	v8 =	vld [tilespmem:s14+$0xFFFFFFF0];
	v17 =	vmul.f32 $1.442695020e+00, v10;
	v13 =	vperm.xlane v13, v4  }
0xdd: {  	v7 =	vld [tilespmem:s18+$0x0];
	v12 =	vmul.f32 $1.442695020e+00, v15;
	(erf) = vpow2.f32 v14  }
0xde: {  	s13 =	simm.s32 $0x2620;
	v9 =	vld [tilespmem:s14+$0x0];
	v15 =	vpop (erf);
	(erf) = vpow2.f32 v17;
	v14 =	vsel vm0, $0x0, v13;
	v13 =	vsub.f32 v11, v16  }
0xdf: {  	s17 =	simm.s32 $0x8;
	v10 =	vld [tilespmem:s18+$0xFFFFFFE0];
	s18 =	simm.s32 $0x46E0;
	v11 =	vperm.xlane v15, v4;
	[tilespmem:s13+$0x10] =	vst v14  }
.LBB2_15:
0xe0: {  	v14 =	vld [tilespmem:s18+$0x10];
	v13 =	vmul.f32 $1.442695020e+00, v13;
	s14 =	sadd.s32 $0x40, s14;
	(erf) = vpow2.f32 v12;
	v12 =	vpop (erf)  }
0xe1: {  	s17 =	sadd.s32 $0x4, s17;
	v15 =	vld [tilespmem:s14+$0x10];
	v8 =	vsub.f32 v5, v8;
	v5 =	vsel vm0, $0x0, v11;
	v11 =	vperm.xlane v12, v4;
	v12 =	vpop (erf)  }
0xe2: {  	p0 =	slt.u32 s17, $0x1FC;
	v16 =	vld [tilespmem:s14+$0xFFFFFFE0];
	(erf) = vpow2.f32 v13;
	v12 =	vperm.xlane v12, v4;
	[tilespmem:s13+$0xFFFFFFF0] =	vst v5  }
.Ltmp6:
0xe3: {  	v5 =	vld [tilespmem:s18+$0xFFFFFFF0];
	v13 =	vmul.f32 $1.442695020e+00, v8;
	v9 =	vsub.f32 v7, v9;
	v7 =	vpop (erf);
	v11 =	vsel vm0, $0x0, v11;
	(pc) =	sbr.rel @p0 .LBB2_15-.Ltmp6, $4  }
0xe4: {  	v8 =	vld [tilespmem:s14+$0xFFFFFFF0];
	v17 =	vsub.f32 v10, v6;
	v10 =	vperm.xlane v7, v4;
	v12 =	vsel vm0, $0x0, v12;
	[tilespmem:s13+$0x0] =	vst v11  }
0xe5: {  	v7 =	vld [tilespmem:s18+$0x0];
	v11 =	vmul.f32 $1.442695020e+00, v9;
	(erf) = vpow2.f32 v13;
	[tilespmem:s13+$0xFFFFFFE0] =	vst v12  }
0xe6: {  	s13 =	sadd.s32 $0x40, s13;
	v9 =	vld [tilespmem:s14+$0x0];
	v13 =	vsub.f32 v14, v15;
	v12 =	vmul.f32 $1.442695020e+00, v17;
	v15 =	vsel vm0, $0x0, v10;
	v14 =	vpop (erf)  }
0xe7: {  	v10 =	vld [tilespmem:s18+$0xFFFFFFE0];
	s18 =	sadd.s32 $0x40, s18;
	(erf) = vpow2.f32 v11;
	v11 =	vperm.xlane v14, v4;
	[tilespmem:s13+$0x10] =	vst v15;
	v6 =	vmov v16  }
0xe8: {  	_ =	sdelay $0x1  }
0xe9: {  	v5 =	vsub.f32 v5, v8  }
0xea: {  	v55 =	vmul.f32 $1.442695020e+00, v13;
	v7 =	vsub.f32 v7, v9  }
0xeb: {  	(erf) = vpow2.f32 v12;
	v5 =	vmul.f32 $1.442695020e+00, v5;
	v6 =	vsub.f32 v10, v6  }
0xec: {  	(erf) = vpow2.f32 v55;
	v7 =	vmul.f32 $1.442695020e+00, v7  }
0xed: {  	(erf) = vpow2.f32 v5;
	v5 =	vmul.f32 $1.442695020e+00, v6;
	_ =	sdelay $0x1  }
0xee: {  	(erf) = vpow2.f32 v7  }
0xef: {  	v6 =	vpop (erf);
	(erf) = vpow2.f32 v5  }
0xf0: {  	v6 =	vperm.xlane v6, v4;
	v5 =	vpop (erf)  }
0xf1: {  	v56 =	vsel vm0, $0x0, v11;
	v7 =	vpop (erf);
	v5 =	vperm.xlane v5, v4  }
0xf2: {  	[tilespmem:s13+$0xFFFFFFF0] =	vst v56;
	v6 =	vsel vm0, $0x0, v6;
	v57 =	vpop (erf);
	v7 =	vperm.xlane v7, v4  }
0xf3: {  	[tilespmem:s13+$0x0] =	vst v6;
	v5 =	vsel vm0, $0x0, v5;
	v6 =	vperm.xlane v57, v4;
	v58 =	vpop (erf)  }
0xf4: {  	s31 =	sadd.s32 $0x40, s13;
	[tilespmem:s13+$0xFFFFFFE0] =	vst v5;
	v5 =	vsel vm0, $0x0, v7;
	v7 =	vperm.xlane v58, v4;
	v59 =	vpop (erf)  }
0xf5: {  	[tilespmem:s31+$0x10] =	vst v5;
	v5 =	vsel vm0, $0x0, v6;
	v6 =	vperm.xlane v59, v4;
	v60 =	vpop (erf)  }
0xf6: {  	[tilespmem:s31+$0xFFFFFFF0] =	vst v5;
	v5 =	vsel vm0, $0x0, v7;
	v7 =	vperm.xlane v60, v4;
	v61 =	vpop (erf)  }
0xf7: {  	v6 =	vsel vm0, $0x0, v6;
	[tilespmem:s31+$0x0] =	vst v5;
	v5 =	vperm.xlane v61, v4;
	v62 =	vpop (erf)  }
0xf8: {  	s13 =	sadd.s32 $0x40, s31;
	[tilespmem:s31+$0xFFFFFFE0] =	vst v6;
	v6 =	vsel vm0, $0x0, v7;
	v7 =	vperm.xlane v62, v4;
	v63 =	vpop (erf)  }
0xf9: {  	[tilespmem:s13+$0x10] =	vst v6;
	v5 =	vsel vm0, $0x0, v5;
	v6 =	vperm.xlane v63, v4  }
0xfa: {  	[tilespmem:s13+$0xFFFFFFF0] =	vst v5;
	v5 =	vsel vm0, $0x0, v7  }
0xfb: {  	v6 =	vsel vm0, $0x0, v6;
	[tilespmem:s13+$0x0] =	vst v5  }
0xfc: {  	s5 =	sadd.s32 s10, s5;
	[tilespmem:s13+$0xFFFFFFE0] =	vst v6  }
0xfd: {  	[hbm4b:s5+s4] =	stream.linear.scatter [tilespmem:s28], [sflag:$0x1], $0x2000, $0x38;
	[tilespmem:$0x1D000] =	vst v63  }
0xfe: {  	s0 =	sadd.s32 $0x1, s0;
	_ =	swait.ge [sflag:s21], $0x2000  }
0xff: {  	p0 =	sne.s32 s0, $0x28;
	[sflag:s21] =	ssyncset.done $0x0  }
.Ltmp7:
0x100: {  	[sflag:s21] =	ssyncadd.s32 $0xFFFFE000;
	(pc) =	sbr.rel @p0 .LBB2_14-.Ltmp7, $4  }
0x101: {  	[spmem:s3] =	stream.indirect.scatter.add.f32 [tilespmem:s28], [sflag:$0x1], $0x10, s4, s23, $0xb8;
	[tilespmem:$0x1D000] =	vst v63  }
0x102: {  	_ =	swait.ge [sflag:s21], $0x2000  }
0x103: {  	[sflag:s21] =	ssyncset.done $0x0  }
0x104: {  	[sflag:s21] =	ssyncadd.s32 $0xFFFFE000  }
0x105: {  	[bflag:$0x0] =	sbarrier.arrive $0xFFFF;
	s31 =	simm.s32 $0x0  }
.LBB2_18:
0x106: {  	s0 =	sadd.s32 s15, s31  }
0x107: {  	s5 =	sshll.u32 s0, $0x7  }
0x108: {  	s5 =	sadd.s32 s1, s5  }
0x109: {  	[tilespmem:s4], [sflag:$0x1] =	stream.linear.gather [hbm4b:s5+s4], $0x400, $0x38;
	[tilespmem:$0x1D000] =	vst v63  }
0x10a: {  	s0 =	sadd.s32 s16, s0;
	_ =	swait.ge [sflag:s21], $0x400  }
0x10b: {  	s0 =	sshll.u32 s0, $0xA;
	[sflag:s21] =	ssyncset.done $0x0  }
0x10c: {  	s0 =	sadd.s32 s10, s0;
	[sflag:s21] =	ssyncadd.s32 $0xFFFFFC00  }
0x10d: {  	[tilespmem:s28], [sflag:$0x1] =	stream.linear.gather [hbm4b:s0+s4], $0x2000, $0x38;
	[tilespmem:$0x1D000] =	vst v63  }
0x10e: {  	_ =	swait.ge [sflag:s21], $0x2000  }
0x10f: {  	[sflag:s21] =	ssyncset.done $0x0  }
0x110: {  	[sflag:s21] =	ssyncadd.s32 $0xFFFFE000  }
0x111: {  	[tilespmem:s29], [sflag:$0x1] =	stream.indirect.gather [spmem:s3], $0x10, s4, s23, $0xb8;
	[tilespmem:$0x1D000] =	vst v63  }
0x112: {  	_ =	swait.ge [sflag:s21], $0x2000  }
0x113: {  	[sflag:s21] =	ssyncset.done $0x0  }
0x114: {  	s19 =	simm.s32 $0x6620;
	[sflag:s21] =	ssyncadd.s32 $0xFFFFE000  }
0x115: {  	v5 =	vld [tilespmem:s19+$0x10]  }
0x116: {  	v6 =	vld [tilespmem:s19+$0xFFFFFFE0]  }
0x117: {  	v7 =	vld [tilespmem:s19+$0xFFFFFFF0]  }
0x118: {  	v9 =	vld [tilespmem:s19+$0x0];
	_ =	sdelay $0x1  }
0x119: {  	v5 =	vadd.f32 $1.000000020e-16, v5  }
0x11a: {  	s13 =	simm.s32 $0x6660;
	v6 =	vadd.f32 $1.000000020e-16, v6  }
0x11b: {  	v10 =	vld [tilespmem:s13+$0x10];
	v13 =	vadd.f32 $1.000000020e-16, v7;
	(erf) = vrcp.f32 v5  }
0x11c: {  	v5 =	vadd.f32 $1.000000020e-16, v9;
	(erf) = vrcp.f32 v6  }
0x11d: {  	v11 =	vld [tilespmem:s13+$0xFFFFFFE0];
	(erf) = vrcp.f32 v13  }
0x11e: {  	v12 =	vld [tilespmem:s13+$0xFFFFFFF0];
	(erf) = vrcp.f32 v5  }
0x11f: {  	s5 =	simm.s32 $0x2620;
	v8 =	vld [tilespmem:s13+$0x0]  }
0x120: {  	v7 =	vld [tilespmem:s5+$0x10];
	v9 =	vadd.f32 $1.000000020e-16, v10  }
0x121: {  	v6 =	vld [tilespmem:s5+$0xFFFFFFF0]  }
0x122: {  	v11 =	vadd.f32 $1.000000020e-16, v11;
	v5 =	vld [tilespmem:s5+$0x0];
	(erf) = vrcp.f32 v9  }
0x123: {  	s14 =	simm.s32 $0x4;
	s17 =	simm.s32 $0x66A0;
	s13 =	simm.s32 $0x2620;
	v10 =	vadd.f32 $1.000000020e-16, v12;
	v9 =	vld [tilespmem:s5+$0xFFFFFFE0]  }
.LBB2_19:
0x124: {  	v12 =	vld [tilespmem:s17+$0x10];
	s14 =	sadd.s32 $0x4, s14;
	v8 =	vadd.f32 $1.000000020e-16, v8;
	(erf) = vrcp.f32 v11;
	v11 =	vpop (erf)  }
0x125: {  	v13 =	vld [tilespmem:s17+$0xFFFFFFE0];
	p0 =	slt.u32 s14, $0x1FC;
	(erf) = vrcp.f32 v10;
	v7 =	vmul.f32 v11, v7;
	v10 =	vpop (erf)  }
0x126: {  	v14 =	vld [tilespmem:s17+$0xFFFFFFF0];
	(erf) = vrcp.f32 v8;
	v11 =	vpop (erf)  }
.Ltmp8:
0x127: {  	s13 =	sadd.s32 $0x40, s13;
	v8 =	vld [tilespmem:s17+$0x0];
	v11 =	vmul.f32 v11, v6;
	[tilespmem:s5+$0x10] =	vst v7;
	v6 =	vpop (erf);
	(pc) =	sbr.rel @p0 .LBB2_19-.Ltmp8, $4  }
0x128: {  	v7 =	vld [tilespmem:s13+$0x10];
	v9 =	vmul.f32 v10, v9;
	v15 =	vmul.f32 v6, v5  }
0x129: {  	v12 =	vadd.f32 $1.000000020e-16, v12;
	v6 =	vld [tilespmem:s13+$0xFFFFFFF0];
	[tilespmem:s5+$0xFFFFFFF0] =	vst v11  }
0x12a: {  	v11 =	vadd.f32 $1.000000020e-16, v13;
	v5 =	vld [tilespmem:s13+$0x0];
	[tilespmem:s5+$0xFFFFFFE0] =	vst v9  }
0x12b: {  	s17 =	sadd.s32 $0x40, s17;
	v10 =	vadd.f32 $1.000000020e-16, v14;
	(erf) = vrcp.f32 v12;
	v9 =	vld [tilespmem:s13+$0xFFFFFFE0];
	[tilespmem:s5+$0x0] =	vst v15;
	s5 =	smov.u32 s13  }
0x12c: {  	v8 =	vadd.f32 $1.000000020e-16, v8;
	_ =	sdelay $0x1  }
0x12d: {  	(erf) = vrcp.f32 v11  }
0x12e: {  	s13 =	sadd.s32 $0x40, s13;
	(erf) = vrcp.f32 v10  }
0x12f: {  	v11 =	vld [tilespmem:s13+$0x10];
	(erf) = vrcp.f32 v8;
	v8 =	vpop (erf)  }
0x130: {  	v10 =	vpop (erf);
	v7 =	vmul.f32 v8, v7  }
0x131: {  	v8 =	vpop (erf)  }
0x132: {  	v13 =	vld [tilespmem:s13+$0xFFFFFFE0];
	v6 =	vmul.f32 v8, v6;
	v8 =	vpop (erf);
	[tilespmem:s5+$0x10] =	vst v7;
	v7 =	vmul.f32 v10, v9  }
0x133: {  	v12 =	vld [tilespmem:s13+$0xFFFFFFF0];
	v10 =	vpop (erf)  }
0x134: {  	v9 =	vld [tilespmem:s13+$0x0];
	[tilespmem:s5+$0xFFFFFFE0] =	vst v7;
	v7 =	vmul.f32 v10, v11  }
0x135: {  	v5 =	vmul.f32 v8, v5  }
0x136: {  	[tilespmem:s5+$0xFFFFFFF0] =	vst v6;
	v6 =	vpop (erf)  }
0x137: {  	[tilespmem:s5+$0x0] =	vst v5;
	v8 =	vpop (erf);
	v6 =	vmul.f32 v6, v13  }
0x138: {  	[tilespmem:s13+$0x10] =	vst v7;
	v5 =	vmul.f32 v8, v12;
	v7 =	vpop (erf)  }
0x139: {  	v7 =	vmul.f32 v7, v9;
	[tilespmem:s13+$0xFFFFFFE0] =	vst v6  }
0x13a: {  	[tilespmem:s13+$0xFFFFFFF0] =	vst v5  }
0x13b: {  	[tilespmem:s13+$0x0] =	vst v7  }
0x13c: {  	[hbm4b:s0+s4] =	stream.linear.scatter [tilespmem:s28], [sflag:$0x1], $0x2000, $0x38;
	[tilespmem:$0x1D000] =	vst v63  }
0x13d: {  	_ =	swait.ge [sflag:s21], $0x2000  }
0x13e: {  	[sflag:s21] =	ssyncset.done $0x0  }
0x13f: {  	s19 =	simm.s32 $0x230;
	[sflag:s21] =	ssyncadd.s32 $0xFFFFE000  }
0x140: {  	v5 =	vld [tilespmem:s19+$0xFFFFFFD0]  }
0x141: {  	v7 =	vld [tilespmem:s19+$0xFFFFFFF0]  }
0x142: {  	v6 =	vld [tilespmem:s19+$0x0]  }
0x143: {  	v8 =	vld [tilespmem:s19+$0xFFFFFFE0];
	_ =	sdelay $0x1  }
0x144: {  	s5 =	simm.s32 $0x270;
	s0 =	simm.s32 $0x10620;
	v9 =	vadd.s32 v1, v5  }
0x145: {  	v5 =	vld [tilespmem:s5+$0xFFFFFFD0];
	v10 =	vadd.s32 v1, v7;
	[tilespmem:s0+$0xFFFFFFE0] =	vst v9  }
0x146: {  	v7 =	vld [tilespmem:s5+$0xFFFFFFF0];
	v9 =	vadd.s32 v1, v6;
	[tilespmem:s0+$0x0] =	vst v10  }
0x147: {  	s13 =	simm.s32 $0x4;
	v8 =	vadd.s32 v1, v8;
	v6 =	vld [tilespmem:s5+$0x0];
	[tilespmem:s0+$0x10] =	vst v9  }
.LBB2_21:
0x148: {  	s13 =	sadd.s32 $0x4, s13  }
0x149: {  	v9 =	vld [tilespmem:s5+$0xFFFFFFE0];
	[tilespmem:s0+$0xFFFFFFF0] =	vst v8;
	s0 =	sadd.s32 $0x40, s0;
	p0 =	slt.u32 s13, $0x1C  }
.Ltmp9:
0x14a: {  	(pc) =	sbr.rel @p0 .LBB2_21-.Ltmp9, $4  }
0x14b: {  	s5 =	sadd.s32 $0x40, s5;
	v8 =	vadd.s32 v1, v5  }
0x14c: {  	v5 =	vld [tilespmem:s5+$0xFFFFFFD0];
	[tilespmem:s0+$0xFFFFFFE0] =	vst v8;
	v8 =	vadd.s32 v1, v6  }
0x14d: {  	v6 =	vld [tilespmem:s5+$0x0];
	v10 =	vadd.s32 v1, v7;
	[tilespmem:s0+$0x10] =	vst v8  }
0x14e: {  	v7 =	vld [tilespmem:s5+$0xFFFFFFF0];
	v8 =	vadd.s32 v1, v9;
	[tilespmem:s0+$0x0] =	vst v10  }
0x14f: {  	v9 =	vld [tilespmem:s5+$0xFFFFFFE0];
	_ =	sdelay $0x1  }
0x150: {  	[tilespmem:s0+$0xFFFFFFF0] =	vst v8;
	s19 =	sadd.s32 $0x40, s0;
	v5 =	vadd.s32 v1, v5  }
0x151: {  	[tilespmem:s19+$0xFFFFFFE0] =	vst v5;
	v5 =	vadd.s32 v1, v6  }
0x152: {  	s13 =	simm.s32 $0x10;
	v6 =	vadd.s32 v1, v7;
	[tilespmem:s19+$0x10] =	vst v5  }
0x153: {  	v5 =	vadd.s32 v1, v9;
	[tilespmem:s19+$0x0] =	vst v6;
	v6 =	vmov s13  }
0x154: {  	[tilespmem:s19+$0xFFFFFFF0] =	vst v5;
	v5 =	vor.u32 $0x4, v6  }
0x155: {  	[tilespmem:s20], [sflag:$0x1] =	stream.indirect.gather [hbm4b:s8+s23], $0x40, s26, s23, $0xb8;
	[tilespmem:$0x1D000] =	vst v63  }
0x156: {  	s14 =	simm.s32 $0x0;
	_ =	swait.ge [sflag:s21], $0x8000  }
0x157: {  	v7 =	vmov s14;
	[sflag:s21] =	ssyncset.done $0x0  }
0x158: {  	v8 =	vor.u32 $0x4, v7;
	[sflag:s21] =	ssyncadd.s32 $0xFFFF8000  }
0x159: {  	s0 =	simm.s32 $0x8640;
	v5 =	vld.idx.msk [tilespmem:v5+s28+$0x0], $0xffff  }
0x15a: {  	v9 =	vld [tilespmem:s0+$0x0];
	_ =	sdelay $0x1  }
0x15b: {  	v10 =	vld [tilespmem:s0+$0x10]  }
0x15c: {  	v8 =	vld.idx.msk [tilespmem:v8+s28+$0x0], $0xffff  }
0x15d: {  	s17 =	simm.s32 $0x30;
	v11 =	vld [tilespmem:s0+$0xFFFFFFC0]  }
0x15e: {  	s18 =	simm.s32 $0x20;
	v19 =	vmov s17;
	v12 =	vor.u32 $0x5, v6;
	v13 =	vld [tilespmem:s0+$0xFFFFFFD0];
	v9 =	vmul.f32 v9, v5  }
0x15f: {  	v15 =	vmov s18;
	v14 =	vor.u32 $0x4, v19;
	v6 =	vld [tilespmem:s0+$0xFFFFFFE0]  }
0x160: {  	v16 =	vld [tilespmem:s0+$0x20];
	v10 =	vmul.f32 v10, v5;
	[tilespmem:s0+$0x0] =	vst v9;
	v9 =	vor.u32 $0x4, v15  }
0x161: {  	s13 =	simm.s32 $0x86C0;
	v20 =	vld [tilespmem:s0+$0x30]  }
0x162: {  	v17 =	vld [tilespmem:s13+$0x0];
	[tilespmem:s0+$0x10] =	vst v10  }
0x163: {  	v18 =	vld.idx.msk [tilespmem:v12+s28+$0x0], $0xffff  }
0x164: {  	v10 =	vld.idx.msk [tilespmem:v14+s28+$0x0], $0xffff  }
0x165: {  	v11 =	vmul.f32 v11, v8;
	v13 =	vmul.f32 v13, v8;
	v8 =	vld.idx.msk [tilespmem:v9+s28+$0x0], $0xffff;
	v9 =	vor.u32 $0x5, v7  }
0x166: {  	v12 =	vld [tilespmem:s13+$0x10]  }
0x167: {  	v5 =	vld [tilespmem:s0+$0xFFFFFFF0]  }
0x168: {  	s19 =	simm.s32 $0x40;
	[tilespmem:s0+$0xFFFFFFC0] =	vst v11;
	v11 =	vld [tilespmem:s13+$0xFFFFFFC0];
	v7 =	vor.u32 $0x5, v15;
	v15 =	vmul.f32 v16, v18;
	v18 =	vmul.f32 v20, v18  }
0x169: {  	s5 =	simm.s32 $0x86C0;
	s17 =	simm.s32 $0x50;
	s14 =	simm.s32 $0x6;
	[tilespmem:s0+$0xFFFFFFD0] =	vst v13;
	v14 =	vmov s19;
	v13 =	vor.u32 $0x5, v19;
	v16 =	vld [tilespmem:s13+$0xFFFFFFD0]  }
.LBB2_23:
0x16a: {  	p0 =	slt.u32 s14, $0x1FE;
	v19 =	vor.u32 $0x4, v14;
	v20 =	vmov s17;
	v17 =	vmul.f32 v17, v10;
	v21 =	vld.idx.msk [tilespmem:v9+s28+$0x0], $0xffff;
	[tilespmem:s0+$0x30] =	vst v18;
	v9 =	vmovc v7  }
0x16b: {  	v7 =	vor.u32 $0x5, v14;
	v14 =	vor.u32 $0x4, v20;
	v18 =	vld [tilespmem:s13+$0xFFFFFFE0];
	v10 =	vmul.f32 v12, v10;
	[tilespmem:s0+$0x20] =	vst v15  }
0x16c: {  	v12 =	vld [tilespmem:s13+$0xFFFFFFF0];
	[tilespmem:s13+$0x0] =	vst v17  }
0x16d: {  	v11 =	vmul.f32 v11, v8;
	[tilespmem:s13+$0x10] =	vst v10;
	v15 =	vld [tilespmem:s13+$0x20]  }
0x16e: {  	v8 =	vmul.f32 v16, v8;
	v13 =	vld.idx.msk [tilespmem:v13+s28+$0x0], $0xffff  }
0x16f: {  	[tilespmem:s13+$0xFFFFFFC0] =	vst v11;
	v16 =	vld [tilespmem:s13+$0x30]  }
0x170: {  	s13 =	sadd.s32 $0x80, s13;
	v11 =	vmul.f32 v5, v21;
	v10 =	vld.idx.msk [tilespmem:v14+s28+$0x0], $0xffff;
	[tilespmem:s5+$0xFFFFFFD0] =	vst v8;
	v8 =	vmul.f32 v6, v21;
	v6 =	vmov v18  }
.Ltmp10:
0x171: {  	v17 =	vld [tilespmem:s13+$0x0];
	v5 =	vmov v12;
	(pc) =	sbr.rel @p0 .LBB2_23-.Ltmp10, $4  }
0x172: {  	v12 =	vld [tilespmem:s13+$0x10];
	[tilespmem:s0+$0xFFFFFFE0] =	vst v8  }
0x173: {  	v8 =	vld.idx.msk [tilespmem:v19+s28+$0x0], $0xffff;
	[tilespmem:s0+$0xFFFFFFF0] =	vst v11;
	s0 =	smov.u32 s5;
	s5 =	smov.u32 s13  }
0x174: {  	s17 =	sshll.u32 s14, $0x4;
	v15 =	vmul.f32 v15, v13;
	v11 =	vld [tilespmem:s13+$0xFFFFFFC0];
	v18 =	vmul.f32 v16, v13  }
0x175: {  	s14 =	sadd.s32 $0x2, s14;
	v14 =	vmov s17;
	s17 =	sadd.s32 $0x10, s17;
	v13 =	vor.u32 $0x5, v20;
	v16 =	vld [tilespmem:s13+$0xFFFFFFD0]  }
0x176: {  	_ =	sdelay $0x3  }
0x177: {  	v19 =	vmov s17;
	v9 =	vld.idx.msk [tilespmem:v9+s28+$0x0], $0xffff  }
0x178: {  	v46 =	vld [tilespmem:s13+$0xFFFFFFE0];
	v20 =	vor.u32 $0x4, v19  }
0x179: {  	v21 =	vld [tilespmem:s13+$0xFFFFFFF0]  }
0x17a: {  	v47 =	vor.u32 $0x4, v14;
	v48 =	vld [tilespmem:s13+$0x20];
	s14 =	sadd.s32 $0x80, s13  }
0x17b: {  	v22 =	vld [tilespmem:s14+$0x0]  }
0x17c: {  	v23 =	vld [tilespmem:s14+$0x10]  }
0x17d: {  	v17 =	vmul.f32 v17, v10;
	[tilespmem:s0+$0x30] =	vst v18;
	v20 =	vld.idx.msk [tilespmem:v20+s28+$0x0], $0xffff  }
0x17e: {  	[tilespmem:s0+$0x20] =	vst v15;
	v45 =	vmul.f32 v12, v10;
	v49 =	vld [tilespmem:s14+$0xFFFFFFC0]  }
0x17f: {  	[tilespmem:s13+$0x0] =	vst v17;
	v11 =	vmul.f32 v11, v8;
	v17 =	vld.idx.msk [tilespmem:v47+s28+$0x0], $0xffff  }
0x180: {  	v51 =	vld [tilespmem:s14+$0xFFFFFFD0];
	[tilespmem:s13+$0x10] =	vst v45;
	v50 =	vmul.f32 v16, v8  }
0x181: {  	v55 =	vld [tilespmem:s13+$0x30];
	v52 =	vor.u32 $0x5, v19;
	[tilespmem:s13+$0xFFFFFFC0] =	vst v11;
	v6 =	vmul.f32 v6, v9  }
0x182: {  	v53 =	vld.idx.msk [tilespmem:v13+s28+$0x0], $0xffff;
	[tilespmem:s5+$0xFFFFFFD0] =	vst v50;
	v54 =	vmul.f32 v22, v20  }
0x183: {  	v57 =	vor.u32 $0x5, v14;
	v58 =	vld [tilespmem:s14+$0xFFFFFFE0];
	[tilespmem:s0+$0xFFFFFFE0] =	vst v6;
	v56 =	vmul.f32 v23, v20  }
0x184: {  	v7 =	vld.idx.msk [tilespmem:v7+s28+$0x0], $0xffff;
	v18 =	vmul.f32 v49, v17;
	[tilespmem:s14+$0x0] =	vst v54  }
0x185: {  	v60 =	vld [tilespmem:s14+$0x30];
	v6 =	vmul.f32 v51, v17;
	[tilespmem:s14+$0x10] =	vst v56  }
0x186: {  	v5 =	vmul.f32 v5, v9;
	[tilespmem:s14+$0xFFFFFFC0] =	vst v18;
	v59 =	vld.idx.msk [tilespmem:v52+s28+$0x0], $0xffff  }
0x187: {  	v61 =	vld [tilespmem:s14+$0x20];
	v8 =	vmul.f32 v55, v53;
	[tilespmem:s14+$0xFFFFFFD0] =	vst v6  }
0x188: {  	[tilespmem:s0+$0xFFFFFFF0] =	vst v5;
	v5 =	vmul.f32 v48, v53;
	v6 =	vld.idx.msk [tilespmem:v57+s28+$0x0], $0xffff  }
0x189: {  	v62 =	vld [tilespmem:s14+$0xFFFFFFF0];
	[tilespmem:s5+$0x30] =	vst v8;
	v63 =	vmul.f32 v46, v7  }
0x18a: {  	[tilespmem:s5+$0x20] =	vst v5;
	v5 =	vmul.f32 v21, v7  }
0x18b: {  	[tilespmem:s5+$0xFFFFFFE0] =	vst v63;
	v7 =	vmul.f32 v60, v59  }
0x18c: {  	[tilespmem:s5+$0xFFFFFFF0] =	vst v5;
	v5 =	vmul.f32 v61, v59  }
0x18d: {  	[tilespmem:s14+$0x30] =	vst v7;
	v7 =	vmul.f32 v58, v6  }
0x18e: {  	s31 =	sadd.s32 $0x1, s31;
	[tilespmem:s14+$0x20] =	vst v5;
	v5 =	vmul.f32 v62, v6  }
0x18f: {  	p0 =	sne.s32 s31, $0x28;
	[tilespmem:s14+$0xFFFFFFE0] =	vst v7  }
.Ltmp11:
0x190: {  	[tilespmem:s14+$0xFFFFFFF0] =	vst v5;
	(pc) =	sbr.rel @p0 .LBB2_18-.Ltmp11, $4  }
0x191: {  	[spmem:s2] =	stream.indirect.scatter.add.f32 [tilespmem:s20], [sflag:$0x1], $0x40, s4, s23, $0xb8;
	[tilespmem:$0x1D000] =	vst v63  }
0x192: {  	_ =	swait.ge [sflag:s21], $0x8000  }
0x193: {  	[sflag:s21] =	ssyncset.done $0x0  }
0x194: {  	[sflag:s21] =	ssyncadd.s32 $0xFFFF8000  }
0x195: {  	s0 =	stileid.u32  }
0x196: {  	[bflag:$0x0] =	sbarrier.arrive $0xFFFF;
	s0 =	sshll.u32 s0, $0x6  }
0x197: {  	s5 =	rddreg [dreg:$0x7];
	s31 =	sor.u32 $0x1C01, s0;
	s0 =	sshrl.u32 s11, $0x3  }
0x198: {  	[hbm:s5], [sflag:s31] =	dma.local [spmem:s0], $0x1400  }
0x199: {  	_ =	swait.ge [sflag:s21], $0x1400  }
0x19a: {  	[sflag:s21] =	ssyncset.done $0x0  }
0x19b: {  	[sflag:s21] =	ssyncadd.s32 $0xFFFFEC00  }
0x19c: {  	s5 =	simm.s32 $0x8680;
	[bflag:$0x0] =	sbarrier.arrive $0xFFFF  }
0x19d: {  	[tilespmem:s5+$0xFFFFFF80] =	vst v3  }
0x19e: {  	[tilespmem:s5+$0x70] =	vst v3  }
0x19f: {  	[tilespmem:s5+$0x60] =	vst v3  }
0x1a0: {  	[tilespmem:s5+$0x50] =	vst v3  }
0x1a1: {  	[tilespmem:s5+$0x40] =	vst v3  }
0x1a2: {  	[tilespmem:s5+$0x30] =	vst v3  }
0x1a3: {  	[tilespmem:s5+$0x20] =	vst v3  }
0x1a4: {  	[tilespmem:s5+$0x10] =	vst v3  }
0x1a5: {  	[tilespmem:s5+$0x0] =	vst v3  }
0x1a6: {  	[tilespmem:s5+$0xFFFFFFF0] =	vst v3  }
0x1a7: {  	[tilespmem:s5+$0xFFFFFFE0] =	vst v3  }
0x1a8: {  	[tilespmem:s5+$0xFFFFFFD0] =	vst v3  }
0x1a9: {  	[tilespmem:s5+$0xFFFFFFC0] =	vst v3  }
0x1aa: {  	[tilespmem:s5+$0xFFFFFFB0] =	vst v3  }
0x1ab: {  	s13 =	simm.s32 $0x0;
	[tilespmem:s5+$0xFFFFFFA0] =	vst v3  }
.LBB2_26:
0x1ac: {  	s13 =	sadd.s32 $0x4, s13;
	[tilespmem:s5+$0xFFFFFF90] =	vst v3;
	s5 =	sadd.s32 $0x100, s5  }
0x1ad: {  	[tilespmem:s5+$0xFFFFFF80] =	vst v3;
	p0 =	slt.u32 s13, $0x1FC  }
0x1ae: {  	[tilespmem:s5+$0x70] =	vst v3  }
0x1af: {  	[tilespmem:s5+$0x60] =	vst v3  }
0x1b0: {  	[tilespmem:s5+$0x50] =	vst v3  }
0x1b1: {  	[tilespmem:s5+$0x40] =	vst v3  }
0x1b2: {  	[tilespmem:s5+$0x30] =	vst v3  }
0x1b3: {  	[tilespmem:s5+$0x20] =	vst v3  }
0x1b4: {  	[tilespmem:s5+$0x10] =	vst v3  }
0x1b5: {  	[tilespmem:s5+$0x0] =	vst v3  }
0x1b6: {  	[tilespmem:s5+$0xFFFFFFF0] =	vst v3  }
.Ltmp12:
0x1b7: {  	[tilespmem:s5+$0xFFFFFFE0] =	vst v3;
	(pc) =	sbr.rel @p0 .LBB2_26-.Ltmp12, $4  }
0x1b8: {  	[tilespmem:s5+$0xFFFFFFD0] =	vst v3  }
0x1b9: {  	[tilespmem:s5+$0xFFFFFFC0] =	vst v3  }
0x1ba: {  	[tilespmem:s5+$0xFFFFFFB0] =	vst v3  }
0x1bb: {  	[tilespmem:s5+$0xFFFFFFA0] =	vst v3  }
0x1bc: {  	[tilespmem:s5+$0xFFFFFF90] =	vst v3  }
0x1bd: {  	[spmem:s11] =	stream.linear.scatter [tilespmem:s20], [sflag:$0x1], $0x8000, $0x38;
	[tilespmem:$0x1D000] =	vst v63  }
0x1be: {  	_ =	swait.ge [sflag:s21], $0x8000  }
0x1bf: {  	[sflag:s21] =	ssyncset.done $0x0  }
0x1c0: {  	[sflag:s21] =	ssyncadd.s32 $0xFFFF8000  }
0x1c1: {  	[spmem:s12] =	stream.linear.scatter [tilespmem:s20], [sflag:$0x1], $0x2000, $0x38;
	[tilespmem:$0x1D000] =	vst v63  }
0x1c2: {  	_ =	swait.ge [sflag:s21], $0x2000  }
0x1c3: {  	[sflag:s21] =	ssyncset.done $0x0  }
0x1c4: {  	[sflag:s21] =	ssyncadd.s32 $0xFFFFE000  }
0x1c5: {  	s5 =	simm.s32 $0x0;
	[bflag:$0x0] =	sbarrier.arrive $0xFFFF  }
.LBB2_28:
0x1c6: {  	s13 =	sadd.s32 s15, s5  }
0x1c7: {  	s14 =	sshll.u32 s13, $0x7  }
0x1c8: {  	s14 =	sadd.s32 s1, s14  }
0x1c9: {  	[tilespmem:s4], [sflag:$0x1] =	stream.linear.gather [hbm4b:s14+s4], $0x400, $0x38;
	[tilespmem:$0x1D000] =	vst v63  }
0x1ca: {  	s13 =	sadd.s32 s16, s13;
	_ =	swait.ge [sflag:s21], $0x400  }
0x1cb: {  	s13 =	sshll.u32 s13, $0xA;
	[sflag:s21] =	ssyncset.done $0x0  }
0x1cc: {  	s13 =	sadd.s32 s10, s13;
	[sflag:s21] =	ssyncadd.s32 $0xFFFFFC00  }
0x1cd: {  	[tilespmem:s28], [sflag:$0x1] =	stream.linear.gather [hbm4b:s13+s4], $0x2000, $0x38;
	[tilespmem:$0x1D000] =	vst v63  }
0x1ce: {  	_ =	swait.ge [sflag:s21], $0x2000  }
0x1cf: {  	[sflag:s21] =	ssyncset.done $0x0  }
0x1d0: {  	s19 =	simm.s32 $0x230;
	[sflag:s21] =	ssyncadd.s32 $0xFFFFE000  }
0x1d1: {  	v5 =	vld [tilespmem:s19+$0xFFFFFFD0]  }
0x1d2: {  	v7 =	vld [tilespmem:s19+$0xFFFFFFF0]  }
0x1d3: {  	v6 =	vld [tilespmem:s19+$0x0]  }
0x1d4: {  	v8 =	vld [tilespmem:s19+$0xFFFFFFE0];
	_ =	sdelay $0x1  }
0x1d5: {  	s14 =	simm.s32 $0x270;
	s13 =	simm.s32 $0x10620;
	v9 =	vadd.s32 v2, v5  }
0x1d6: {  	v5 =	vld [tilespmem:s14+$0xFFFFFFD0];
	v10 =	vadd.s32 v2, v7;
	[tilespmem:s13+$0xFFFFFFE0] =	vst v9  }
0x1d7: {  	v7 =	vld [tilespmem:s14+$0xFFFFFFF0];
	v9 =	vadd.s32 v2, v6;
	[tilespmem:s13+$0x0] =	vst v10  }
0x1d8: {  	s17 =	simm.s32 $0x4;
	v8 =	vadd.s32 v2, v8;
	v6 =	vld [tilespmem:s14+$0x0];
	[tilespmem:s13+$0x10] =	vst v9  }
.LBB2_29:
0x1d9: {  	s17 =	sadd.s32 $0x4, s17  }
0x1da: {  	v9 =	vld [tilespmem:s14+$0xFFFFFFE0];
	[tilespmem:s13+$0xFFFFFFF0] =	vst v8;
	s13 =	sadd.s32 $0x40, s13;
	p0 =	slt.u32 s17, $0x1C  }
.Ltmp13:
0x1db: {  	(pc) =	sbr.rel @p0 .LBB2_29-.Ltmp13, $4  }
0x1dc: {  	s14 =	sadd.s32 $0x40, s14;
	v8 =	vadd.s32 v2, v5  }
0x1dd: {  	v5 =	vld [tilespmem:s14+$0xFFFFFFD0];
	[tilespmem:s13+$0xFFFFFFE0] =	vst v8;
	v8 =	vadd.s32 v2, v6  }
0x1de: {  	v6 =	vld [tilespmem:s14+$0x0];
	v10 =	vadd.s32 v2, v7;
	[tilespmem:s13+$0x10] =	vst v8  }
0x1df: {  	v7 =	vld [tilespmem:s14+$0xFFFFFFF0];
	v8 =	vadd.s32 v2, v9;
	[tilespmem:s13+$0x0] =	vst v10  }
0x1e0: {  	v9 =	vld [tilespmem:s14+$0xFFFFFFE0];
	_ =	sdelay $0x1  }
0x1e1: {  	[tilespmem:s13+$0xFFFFFFF0] =	vst v8;
	s18 =	sadd.s32 $0x40, s13;
	v5 =	vadd.s32 v2, v5  }
0x1e2: {  	[tilespmem:s18+$0xFFFFFFE0] =	vst v5;
	v5 =	vadd.s32 v2, v6  }
0x1e3: {  	s19 =	simm.s32 $0x10;
	v6 =	vadd.s32 v2, v7;
	[tilespmem:s18+$0x10] =	vst v5  }
0x1e4: {  	v5 =	vadd.s32 v2, v9;
	[tilespmem:s18+$0x0] =	vst v6;
	v6 =	vmov s19  }
0x1e5: {  	[tilespmem:s18+$0xFFFFFFF0] =	vst v5;
	v5 =	vor.u32 $0x6, v6  }
0x1e6: {  	[tilespmem:s20], [sflag:$0x1] =	stream.indirect.gather [hbm4b:s8+s23], $0x40, s26, s23, $0xb8;
	[tilespmem:$0x1D000] =	vst v63  }
0x1e7: {  	s14 =	simm.s32 $0x0;
	_ =	swait.ge [sflag:s21], $0x8000  }
0x1e8: {  	v7 =	vmov s14;
	[sflag:s21] =	ssyncset.done $0x0  }
0x1e9: {  	v8 =	vor.u32 $0x6, v7;
	[sflag:s21] =	ssyncadd.s32 $0xFFFF8000  }
0x1ea: {  	s13 =	simm.s32 $0x8640;
	v5 =	vld.idx.msk [tilespmem:v5+s28+$0x0], $0xffff  }
0x1eb: {  	v9 =	vld [tilespmem:s13+$0x0];
	_ =	sdelay $0x1  }
0x1ec: {  	v10 =	vld [tilespmem:s13+$0x10]  }
0x1ed: {  	v8 =	vld.idx.msk [tilespmem:v8+s28+$0x0], $0xffff  }
0x1ee: {  	s17 =	simm.s32 $0x30;
	v11 =	vld [tilespmem:s13+$0xFFFFFFC0]  }
0x1ef: {  	v19 =	vmov s17;
	v12 =	vor.u32 $0x7, v6;
	s18 =	simm.s32 $0x20;
	v13 =	vld [tilespmem:s13+$0xFFFFFFD0];
	v9 =	vmul.f32 v9, v5  }
0x1f0: {  	v14 =	vor.u32 $0x6, v19;
	v15 =	vmov s18;
	v6 =	vld [tilespmem:s13+$0xFFFFFFE0]  }
0x1f1: {  	v16 =	vld [tilespmem:s13+$0x20];
	v10 =	vmul.f32 v10, v5;
	[tilespmem:s13+$0x0] =	vst v9;
	v9 =	vor.u32 $0x6, v15  }
0x1f2: {  	s17 =	simm.s32 $0x86C0;
	v20 =	vld [tilespmem:s13+$0x30]  }
0x1f3: {  	v17 =	vld [tilespmem:s17+$0x0];
	[tilespmem:s13+$0x10] =	vst v10  }
0x1f4: {  	v18 =	vld.idx.msk [tilespmem:v12+s28+$0x0], $0xffff  }
0x1f5: {  	v10 =	vld.idx.msk [tilespmem:v14+s28+$0x0], $0xffff  }
0x1f6: {  	v11 =	vmul.f32 v11, v8;
	v13 =	vmul.f32 v13, v8;
	v8 =	vld.idx.msk [tilespmem:v9+s28+$0x0], $0xffff;
	v9 =	vor.u32 $0x7, v7  }
0x1f7: {  	v12 =	vld [tilespmem:s17+$0x10]  }
0x1f8: {  	v5 =	vld [tilespmem:s13+$0xFFFFFFF0]  }
0x1f9: {  	s19 =	simm.s32 $0x40;
	[tilespmem:s13+$0xFFFFFFC0] =	vst v11;
	v11 =	vld [tilespmem:s17+$0xFFFFFFC0];
	v7 =	vor.u32 $0x7, v15;
	v15 =	vmul.f32 v16, v18;
	v18 =	vmul.f32 v20, v18  }
0x1fa: {  	s14 =	simm.s32 $0x86C0;
	s18 =	simm.s32 $0x6;
	[tilespmem:s13+$0xFFFFFFD0] =	vst v13;
	v14 =	vmov s19;
	s19 =	simm.s32 $0x50;
	v13 =	vor.u32 $0x7, v19;
	v16 =	vld [tilespmem:s17+$0xFFFFFFD0]  }
.LBB2_31:
0x1fb: {  	p0 =	slt.u32 s18, $0x1FE;
	v19 =	vor.u32 $0x6, v14;
	v20 =	vmov s19;
	v17 =	vmul.f32 v17, v10;
	v21 =	vld.idx.msk [tilespmem:v9+s28+$0x0], $0xffff;
	[tilespmem:s13+$0x30] =	vst v18;
	v9 =	vmovc v7  }
0x1fc: {  	v7 =	vor.u32 $0x7, v14;
	v14 =	vor.u32 $0x6, v20;
	v18 =	vld [tilespmem:s17+$0xFFFFFFE0];
	v10 =	vmul.f32 v12, v10;
	[tilespmem:s13+$0x20] =	vst v15  }
0x1fd: {  	v12 =	vld [tilespmem:s17+$0xFFFFFFF0];
	[tilespmem:s17+$0x0] =	vst v17  }
0x1fe: {  	v11 =	vmul.f32 v11, v8;
	[tilespmem:s17+$0x10] =	vst v10;
	v15 =	vld [tilespmem:s17+$0x20]  }
0x1ff: {  	v8 =	vmul.f32 v16, v8;
	v13 =	vld.idx.msk [tilespmem:v13+s28+$0x0], $0xffff  }
0x200: {  	[tilespmem:s17+$0xFFFFFFC0] =	vst v11;
	v16 =	vld [tilespmem:s17+$0x30]  }
0x201: {  	s17 =	sadd.s32 $0x80, s17;
	v11 =	vmul.f32 v5, v21;
	v10 =	vld.idx.msk [tilespmem:v14+s28+$0x0], $0xffff;
	[tilespmem:s14+$0xFFFFFFD0] =	vst v8;
	v8 =	vmul.f32 v6, v21;
	v6 =	vmov v18  }
.Ltmp14:
0x202: {  	v17 =	vld [tilespmem:s17+$0x0];
	v5 =	vmov v12;
	(pc) =	sbr.rel @p0 .LBB2_31-.Ltmp14, $4  }
0x203: {  	v12 =	vld [tilespmem:s17+$0x10];
	[tilespmem:s13+$0xFFFFFFE0] =	vst v8  }
0x204: {  	v8 =	vld.idx.msk [tilespmem:v19+s28+$0x0], $0xffff;
	[tilespmem:s13+$0xFFFFFFF0] =	vst v11;
	s13 =	smov.u32 s14;
	s14 =	smov.u32 s17  }
0x205: {  	s19 =	sshll.u32 s18, $0x4;
	v15 =	vmul.f32 v15, v13;
	v11 =	vld [tilespmem:s17+$0xFFFFFFC0];
	v18 =	vmul.f32 v16, v13  }
0x206: {  	s18 =	sadd.s32 $0x2, s18;
	v14 =	vmov s19;
	s19 =	sadd.s32 $0x10, s19;
	v13 =	vor.u32 $0x7, v20;
	v16 =	vld [tilespmem:s17+$0xFFFFFFD0]  }
0x207: {  	_ =	sdelay $0x3  }
0x208: {  	v19 =	vmov s19;
	v9 =	vld.idx.msk [tilespmem:v9+s28+$0x0], $0xffff  }
0x209: {  	v46 =	vld [tilespmem:s17+$0xFFFFFFE0];
	v20 =	vor.u32 $0x6, v19  }
0x20a: {  	v21 =	vld [tilespmem:s17+$0xFFFFFFF0]  }
0x20b: {  	v47 =	vor.u32 $0x6, v14;
	v48 =	vld [tilespmem:s17+$0x20];
	s18 =	sadd.s32 $0x80, s17  }
0x20c: {  	v22 =	vld [tilespmem:s18+$0x0]  }
0x20d: {  	v23 =	vld [tilespmem:s18+$0x10]  }
0x20e: {  	v17 =	vmul.f32 v17, v10;
	[tilespmem:s13+$0x30] =	vst v18;
	v20 =	vld.idx.msk [tilespmem:v20+s28+$0x0], $0xffff  }
0x20f: {  	[tilespmem:s13+$0x20] =	vst v15;
	v45 =	vmul.f32 v12, v10;
	v49 =	vld [tilespmem:s18+$0xFFFFFFC0]  }
0x210: {  	[tilespmem:s17+$0x0] =	vst v17;
	v11 =	vmul.f32 v11, v8;
	v17 =	vld.idx.msk [tilespmem:v47+s28+$0x0], $0xffff  }
0x211: {  	v51 =	vld [tilespmem:s18+$0xFFFFFFD0];
	[tilespmem:s17+$0x10] =	vst v45;
	v50 =	vmul.f32 v16, v8  }
0x212: {  	v55 =	vld [tilespmem:s17+$0x30];
	v52 =	vor.u32 $0x7, v19;
	[tilespmem:s17+$0xFFFFFFC0] =	vst v11;
	v6 =	vmul.f32 v6, v9  }
0x213: {  	v53 =	vld.idx.msk [tilespmem:v13+s28+$0x0], $0xffff;
	[tilespmem:s14+$0xFFFFFFD0] =	vst v50;
	v54 =	vmul.f32 v22, v20  }
0x214: {  	v57 =	vor.u32 $0x7, v14;
	v58 =	vld [tilespmem:s18+$0xFFFFFFE0];
	[tilespmem:s13+$0xFFFFFFE0] =	vst v6;
	v56 =	vmul.f32 v23, v20  }
0x215: {  	v7 =	vld.idx.msk [tilespmem:v7+s28+$0x0], $0xffff;
	v18 =	vmul.f32 v49, v17;
	[tilespmem:s18+$0x0] =	vst v54  }
0x216: {  	v60 =	vld [tilespmem:s18+$0x30];
	v6 =	vmul.f32 v51, v17;
	[tilespmem:s18+$0x10] =	vst v56  }
0x217: {  	v5 =	vmul.f32 v5, v9;
	[tilespmem:s18+$0xFFFFFFC0] =	vst v18;
	v59 =	vld.idx.msk [tilespmem:v52+s28+$0x0], $0xffff  }
0x218: {  	v61 =	vld [tilespmem:s18+$0x20];
	v8 =	vmul.f32 v55, v53;
	[tilespmem:s18+$0xFFFFFFD0] =	vst v6  }
0x219: {  	[tilespmem:s13+$0xFFFFFFF0] =	vst v5;
	v5 =	vmul.f32 v48, v53;
	v6 =	vld.idx.msk [tilespmem:v57+s28+$0x0], $0xffff  }
0x21a: {  	v62 =	vld [tilespmem:s18+$0xFFFFFFF0];
	[tilespmem:s14+$0x30] =	vst v8;
	v63 =	vmul.f32 v46, v7  }
0x21b: {  	[tilespmem:s14+$0x20] =	vst v5;
	v5 =	vmul.f32 v21, v7  }
0x21c: {  	[tilespmem:s14+$0xFFFFFFE0] =	vst v63;
	v7 =	vmul.f32 v60, v59  }
0x21d: {  	[tilespmem:s14+$0xFFFFFFF0] =	vst v5;
	v5 =	vmul.f32 v61, v59  }
0x21e: {  	[tilespmem:s18+$0x30] =	vst v7;
	v7 =	vmul.f32 v58, v6  }
0x21f: {  	s5 =	sadd.s32 $0x1, s5;
	[tilespmem:s18+$0x20] =	vst v5;
	v5 =	vmul.f32 v62, v6  }
0x220: {  	p0 =	sne.s32 s5, $0x28;
	[tilespmem:s18+$0xFFFFFFE0] =	vst v7  }
.Ltmp15:
0x221: {  	[tilespmem:s18+$0xFFFFFFF0] =	vst v5;
	(pc) =	sbr.rel @p0 .LBB2_28-.Ltmp15, $4  }
0x222: {  	[spmem:s2] =	stream.indirect.scatter.add.f32 [tilespmem:s20], [sflag:$0x1], $0x40, s4, s23, $0xb8;
	[tilespmem:$0x1D000] =	vst v63  }
0x223: {  	_ =	swait.ge [sflag:s21], $0x8000  }
0x224: {  	[sflag:s21] =	ssyncset.done $0x0  }
0x225: {  	[sflag:s21] =	ssyncadd.s32 $0xFFFF8000  }
0x226: {  	[bflag:$0x0] =	sbarrier.arrive $0xFFFF  }
0x227: {  	s5 =	rddreg [dreg:$0x8]  }
0x228: {  	[hbm:s5], [sflag:s31] =	dma.local [spmem:s0], $0x1400  }
0x229: {  	_ =	swait.ge [sflag:s21], $0x1400  }
0x22a: {  	s30 =	sadd.s32 $0x1, s30;
	s31 =	rddreg [dreg:$0x9]  }
0x22b: {  	p0 =	sne.s32 s30, s31  }
.Ltmp16:
0x22c: {  	_ = 	snop;
	(pc) =	sbr.rel @p0 .LBB2_1-.Ltmp16, $3  }
0x22d: {  	_ =	sdelay $0x1  }
0x22e: {  	[sflag:s21] =	ssyncset.done $0x0  }
0x22f: {  	[sflag:s21] =	ssyncadd.s32 $0xFFFFEC00  }
0x230: {  	_ =	sfence.sel $0x180000  }
0x231: {  	[bflag:$0x0] =	sbarrier.arrive $0xFFFF  }
0x232: {  	_ =	strace $0x90000047  }
0x233: {  	s0 =	stileid.u32;
	[bflag:$0x2] =	sbarrier.arrive $0xFFFF  }
0x234: {  	p0 =	sne.s32 s0, $0x0;
	s0 =	rddreg [dreg:$0x4]  }
0x235: {  	s0 =	sadd.s32 @!p0 $0x100000, s0  }
0x236: {  	[sflag:s0] =	ssyncadd.tile.s32 @!p0 $0x1;
	_ =	shalt  }
.Lfunc_end2:
_tile_overlayer_lowered:
.L_overlay_start_2:
0x237: {  	(tag) =	ssettag $0x2  }
0x238: {  	s0 =	rddreg [dreg:$0x0];
	s2 =	stileid.u32  }
0x239: {  	s1 =	rddreg [dreg:$0x1];
	p0 =	sne.s32 s2, $0x0  }
0x23a: {  	s3 =	rddreg [dreg:$0x2];
	[bflag:$0x3] =	sbarrier.arrive $0xFFFF;
	s2 =	simm.s32 @!p0 $0x1C01  }
0x23b: {  	[timem:s3], [sflag:s2] =	dma.local @!p0 [hbm:s0], s1  }
0x23c: {  	s0 =	simm.s32 @!p0 $0x1  }
0x23d: {  	_ =	swait.ge @!p0 [sflag:s0], s1  }
0x23e: {  	s1 =	ssub.s32 @!p0 $0x0, s1;
	[sflag:s0] =	ssyncset.done @!p0 $0x0  }
0x23f: {  	[sflag:s0] =	ssyncadd.s32 @!p0 s1  }
0x240: {  	[bflag:$0x3] =	sbarrier.arrive $0xFFFF  }
0x241: {  	_ =	shalt  }

</sc_bundles>
